<compile_context>
chip_gen: v7x
topology: tpu7x:2x2x1
jax: 0.10.2.dev20260603
libtpu: 0.0.44.dev20260713+nightly
codegen_flags: <defaults>
</compile_context>

<pallas_src>
import functools

import jax
import jax.numpy as jnp
from jax import lax
from jax.experimental import pallas as pl
from jax.experimental.pallas import tpu as pltpu
from jax.experimental.pallas import tpu_sc as plsc


def _make_sc_loss(B, H, W, N, n_pad):
    HW = H * W
    info = plsc.get_sparse_core_info()
    NC, NS, L = info.num_cores, info.num_subcores, info.num_lanes
    SPT = n_pad // NS
    CB = B // NC
    NPH = CB // 2
    PB = CB // NPH
    RPT = PB * H // NS
    HB = RPT // 2
    tail_sid = N // SPT
    TAIL = N - tail_sid * SPT
    mesh = plsc.VectorSubcoreMesh(
        core_axis_name="c", subcore_axis_name="s", num_cores=NC)

    @functools.partial(
        pl.kernel,
        out_type=jax.ShapeDtypeStruct((NC * NS, L), jnp.float32),
        mesh=mesh,
        scratch_types=[
            pltpu.VMEM_SHARED((PB * HW,), jnp.float32),
            pltpu.VMEM((HB, W), jnp.float32),
            pltpu.VMEM((HB, W), jnp.float32),
            pltpu.VMEM((SPT,), jnp.int32),
            pltpu.VMEM((SPT,), jnp.int32),
            pltpu.VMEM((SPT,), jnp.int32),
            pltpu.VMEM((PB, 128), jnp.int32),
            pltpu.VMEM((PB, 128), jnp.float32),
            pltpu.VMEM((CB * SPT,), jnp.float32),
            pltpu.VMEM((SPT,), jnp.float32),
            pltpu.VMEM((L,), jnp.float32),
            pltpu.SemaphoreType.DMA,
            pltpu.SemaphoreType.DMA,
            pltpu.SemaphoreType.DMA,
        ],
    )
    def sc_loss(pred_hbm, tgt_hbm, rows_hbm, cols_hbm, parts_hbm,
                sp, tspa, tspb, rows_v, cols_v, sidx_v, fidx_v, g_v, tgt_v,
                mask_v, part_v, semc, semr, semg):
        cid = lax.axis_index("c")
        sid = lax.axis_index("s")
        wid = sid * NC + cid
        base_s = sid * SPT

        tsp = [tspa, tspb]

        def block_copy(p, i):
            base_row = (cid * CB + p * PB) * H + sid * RPT
            g8 = pl.multiple_of(base_row + i * HB, 8)
            return pltpu.make_async_copy(
                pred_hbm.at[pl.ds(g8, HB), :], tsp[i], semc)

        def start_blocks(p):
            for i in range(2):
                block_copy(p, i).start()

        start_blocks(0)

        pro = []

        @pl.when(sid != tail_sid)
        def _():
            pltpu.make_async_copy(
                rows_hbm.at[pl.ds(base_s, SPT)], rows_v, semg).start()
            pltpu.make_async_copy(
                cols_hbm.at[pl.ds(base_s, SPT)], cols_v, semg).start()

        if TAIL:
            @pl.when(sid == tail_sid)
            def _():
                pltpu.make_async_copy(
                    rows_hbm.at[pl.ds(base_s, TAIL)],
                    rows_v.at[pl.ds(0, TAIL)], semg).start()
                pltpu.make_async_copy(
                    cols_hbm.at[pl.ds(base_s, TAIL)],
                    cols_v.at[pl.ds(0, TAIL)], semg).start()

        cp = pltpu.make_async_copy(
            tgt_hbm.at[pl.ds(sid * (B * SPT) + cid * (CB * SPT), CB * SPT)],
            tgt_v, semg)
        cp.start()
        pro.append(cp)

        @pl.when(sid != tail_sid)
        def _():
            pltpu.make_async_copy(
                rows_hbm.at[pl.ds(0, SPT)], rows_v, semg).wait()
            pltpu.make_async_copy(
                cols_hbm.at[pl.ds(0, SPT)], cols_v, semg).wait()

        if TAIL:
            @pl.when(sid == tail_sid)
            def _():
                pltpu.make_async_copy(
                    rows_hbm.at[pl.ds(0, TAIL)],
                    rows_v.at[pl.ds(0, TAIL)], semg).wait()
                pltpu.make_async_copy(
                    cols_hbm.at[pl.ds(0, TAIL)],
                    cols_v.at[pl.ds(0, TAIL)], semg).wait()

        iota = lax.iota(jnp.int32, L)

        def build(c, carry):
            o = c * L
            r = rows_v[pl.ds(o, L)]
            cc = cols_v[pl.ds(o, L)]
            off = r * W + cc
            off = jnp.minimum(jnp.maximum(off, 0), HW - 1)
            sidx_v[pl.ds(o, L)] = off
            for li in range(PB):
                fidx_v[li, pl.ds(o, L)] = off + li * HW
            g = base_s + o + iota
            m = jnp.minimum(jnp.maximum(N - g, 0), 1)
            mask_v[pl.ds(o, L)] = m.astype(jnp.float32)
            return carry

        lax.fori_loop(0, SPT // L, build, 0)

        for cp in pro:
            cp.wait()

        def forward_phase(p):
            for i in range(2):
                block_copy(p, i).wait()
                sp_base = sid * RPT + i * HB
                buf = tsp[i]

                def fwd(rr, carry):
                    pltpu.make_async_copy(
                        buf.at[rr, :],
                        sp.at[pl.ds((sp_base + rr) * W, W)], semr).start()
                    return carry

                lax.fori_loop(0, HB, fwd, 0)
            for i in range(2):
                pltpu.make_async_copy(
                    pred_hbm.at[pl.ds(0, HB), :], tsp[i], semr).wait()

        acc = jnp.zeros((L,), jnp.float32)
        for p in range(NPH):
            forward_phase(p)
            if p + 1 < NPH:
                start_blocks(p + 1)
            plsc.subcore_barrier()
            gathers = [
                pltpu.make_async_copy(sp.at[fidx_v.at[li]], g_v.at[li], semg)
                for li in range(PB)
            ]
            for cp in gathers:
                cp.start()
            for cp in gathers:
                cp.wait()
            for li in range(PB):
                bl = p * PB + li

                def accum(c, a):
                    o = c * L
                    g = g_v[li, pl.ds(o, L)]
                    t = tgt_v[pl.ds(bl * SPT + o, L)]
                    return a + jnp.abs(g - t) * mask_v[pl.ds(o, L)]

                acc = lax.fori_loop(0, SPT // L, accum, acc)
            plsc.subcore_barrier()

        part_v[...] = acc
        pltpu.sync_copy(part_v, parts_hbm.at[wid])

    return sc_loss


def _reduce_body(scale, parts_ref, out_ref):
    out_ref[...] = (jnp.sum(parts_ref[...]) * scale)[None, None]


def kernel(pred_images, target_runoff_values, station_rows, station_cols):
    B, _, H, W = pred_images.shape
    N = station_rows.shape[0]
    NS = 16
    SPT = -(-N // NS)
    SPT = -(-SPT // 128) * 128
    n_pad = SPT * NS

    pred2 = pred_images.reshape(B * H, W)
    tgt_p = jnp.pad(target_runoff_values[:, :B], ((0, n_pad - N), (0, 0)))
    tgt_prep = tgt_p.reshape(NS, SPT, B).transpose(0, 2, 1).reshape(-1)

    parts = _make_sc_loss(B, H, W, N, n_pad)(
        pred2, tgt_prep, station_rows, station_cols)

    out = pl.pallas_call(
        functools.partial(_reduce_body, 1.0 / (B * N)),
        out_shape=jax.ShapeDtypeStruct((1, 1), jnp.float32),
    )(parts)
    return out[0, 0]

# --- scband reference (transcript-rebuilt; emitter-appended) ---
"""Pipeline reference for scband-station-loss-31207232373071 (READ-ONLY COPY).

The authoritative reference and input builder live on the scoring server;
editing this copy changes nothing except your own understanding.
"""

import jax, jax.numpy as jnp
import numpy as np

B, H, W = 16, 512, 512
N_STATIONS = 2000

def setup_inputs(seed: int = 0) -> dict:
    key = jax.random.key(seed)
    k1, k2, k3, k4 = jax.random.split(key, 4)
    pred_images = jax.random.normal(k1, (B, 1, H, W), dtype=jnp.float32)
    target_runoff_values = jax.random.normal(k2, (N_STATIONS, B), dtype=jnp.float32)
    # Station pixel coordinates, derived from CSV lat/lon with resolution=1.0 and
    # lat_min=lon_min=0: row = int(lat), col = int(lon). All generated in-range,
    # so every station is 'valid' (matches the original valid-station filtering).
    station_rows = jax.random.randint(k3, (N_STATIONS,), 0, H, dtype=jnp.int32)
    station_cols = jax.random.randint(k4, (N_STATIONS,), 0, W, dtype=jnp.int32)
    return {
        'pred_images': pred_images,
        'target_runoff_values': target_runoff_values,
        'station_rows': station_rows,
        'station_cols': station_cols,
    }

def reference(pred_images, target_runoff_values, station_rows, station_cols):
    # Original torch loop (loss_type='l1', target dim==2, time_steps=None):
    #   for each valid station idx:
    #     pred_value = pred_images[:, :, row, col]               # [B, 1]
    #     target_values = target_runoff_values[idx, :B][:, None]  # [B, 1]
    #     total_loss += L1Loss(reduction='mean')(pred, target)
    #   return total_loss / valid_station_count
    # Vectorized: gather station pixels, per-station mean abs error, mean over stations.
    batch_size = pred_images.shape[0]
    pred_vals = pred_images[:, 0, station_rows, station_cols]          # [B, N]
    target_vals = target_runoff_values[:, :batch_size].T               # [B, N]
    per_station = jnp.mean(jnp.abs(pred_vals - target_vals), axis=0)   # [N]
    return jnp.mean(per_station)

if __name__ == "__main__":
    import jax
    _d = setup_inputs()
    print(jax.jit(kernel)(*tuple(_d.values())))

</pallas_src>

<mosaic_0001>
#map = affine_map<(d0, d1) -> (0, 0)>
#map1 = affine_map<(d0, d1) -> (0)>
module attributes {stable_mosaic.version = 14 : i64} {
  func.func @sc_loss(%arg0: i32, %arg1: i32, %arg2: memref<8192x512xf32, #tpu.memory_space<hbm>>, %arg3: memref<32768xf32, #tpu.memory_space<hbm>>, %arg4: memref<2000xi32, #tpu.memory_space<hbm>>, %arg5: memref<2000xi32, #tpu.memory_space<hbm>>, %arg6: memref<32x16xf32, #tpu.memory_space<hbm>>, %arg7: memref<524288xf32, #tpu.memory_space<vmem_shared>>, %arg8: memref<32x512xf32, #tpu.memory_space<vmem>>, %arg9: memref<32x512xf32, #tpu.memory_space<vmem>>, %arg10: memref<128xi32, #tpu.memory_space<vmem>>, %arg11: memref<128xi32, #tpu.memory_space<vmem>>, %arg12: memref<128xi32, #tpu.memory_space<vmem>>, %arg13: memref<2x128xi32, #tpu.memory_space<vmem>>, %arg14: memref<2x128xf32, #tpu.memory_space<vmem>>, %arg15: memref<1024xf32, #tpu.memory_space<vmem>>, %arg16: memref<128xf32, #tpu.memory_space<vmem>>, %arg17: memref<16xf32, #tpu.memory_space<vmem>>, %arg18: memref<!tpu.dma_semaphore, #tpu.memory_space<semaphore_mem>>, %arg19: memref<!tpu.dma_semaphore, #tpu.memory_space<semaphore_mem>>, %arg20: memref<!tpu.dma_semaphore, #tpu.memory_space<semaphore_mem>>) attributes {dimension_semantics = [#tpu.dimension_semantics<core_parallel>, #tpu.dimension_semantics<subcore_parallel>], iteration_bounds = array<i64: 2, 16>, scalar_prefetch = 0 : i64, scratch_operands = 14 : i64, tpu.core_type = #tpu.core_type<sc_vector_subcore>, window_params = [{transform_indices = #map}, {transform_indices = #map1}, {transform_indices = #map1}, {transform_indices = #map1}, {transform_indices = #map}]} {
    %mul3A = arith.constant 2 : i32
    %mul3A_0 = arith.muli %arg1, %mul3A : i32
    %add3A = arith.addi %mul3A_0, %arg0 : i32
    %mul3A_1 = arith.constant 128 : i32
    %mul3A_2 = arith.muli %arg1, %mul3A_1 : i32
    %mul3A_3 = arith.constant 8 : i32
    %mul3A_4 = arith.muli %arg0, %mul3A_3 : i32
    %add3A_5 = arith.constant 0 : i32
    %add3A_6 = arith.addi %mul3A_4, %add3A_5 : i32
    %mul3A_7 = arith.constant 512 : i32
    %mul3A_8 = arith.muli %add3A_6, %mul3A_7 : i32
    %mul3A_9 = arith.constant 64 : i32
    %mul3A_10 = arith.muli %arg1, %mul3A_9 : i32
    %add3A_11 = arith.addi %mul3A_8, %mul3A_10 : i32
    %add3A_12 = arith.constant 0 : i32
    %add3A_13 = arith.addi %add3A_11, %add3A_12 : i32
    %multiple_of3A = tpu.assume_multiple %add3A_13, 8 : i32
    %dma_start3A = arith.constant 0 : i32
    %dma_start3A_14 = tpu.memref_slice %arg2[%multiple_of3A, %dma_start3A] : memref<8192x512xf32, #tpu.memory_space<hbm>> -> memref<32x512xf32, #tpu.memory_space<hbm>>
    %dma_start3A_15 = arith.constant 0 : i32
    %dma_start3A_16 = tpu.memref_slice %arg2[%multiple_of3A, %dma_start3A_15] : memref<8192x512xf32, #tpu.memory_space<hbm>> -> memref<32x512xf32, #tpu.memory_space<hbm>>
    tpu.enqueue_dma source(%dma_start3A_16 : memref<32x512xf32, #tpu.memory_space<hbm>>) target(%arg8 : memref<32x512xf32, #tpu.memory_space<vmem>>) target_semaphore(%arg18 : memref<!tpu.dma_semaphore, #tpu.memory_space<semaphore_mem>>)
    %mul3A_17 = arith.constant 8 : i32
    %mul3A_18 = arith.muli %arg0, %mul3A_17 : i32
    %add3A_19 = arith.constant 0 : i32
    %add3A_20 = arith.addi %mul3A_18, %add3A_19 : i32
    %mul3A_21 = arith.constant 512 : i32
    %mul3A_22 = arith.muli %add3A_20, %mul3A_21 : i32
    %mul3A_23 = arith.constant 64 : i32
    %mul3A_24 = arith.muli %arg1, %mul3A_23 : i32
    %add3A_25 = arith.addi %mul3A_22, %mul3A_24 : i32
    %add3A_26 = arith.constant 32 : i32
    %add3A_27 = arith.addi %add3A_25, %add3A_26 : i32
    %multiple_of3A_28 = tpu.assume_multiple %add3A_27, 8 : i32
    %dma_start3A_29 = arith.constant 0 : i32
    %dma_start3A_30 = tpu.memref_slice %arg2[%multiple_of3A_28, %dma_start3A_29] : memref<8192x512xf32, #tpu.memory_space<hbm>> -> memref<32x512xf32, #tpu.memory_space<hbm>>
    %dma_start3A_31 = arith.constant 0 : i32
    %dma_start3A_32 = tpu.memref_slice %arg2[%multiple_of3A_28, %dma_start3A_31] : memref<8192x512xf32, #tpu.memory_space<hbm>> -> memref<32x512xf32, #tpu.memory_space<hbm>>
    tpu.enqueue_dma source(%dma_start3A_32 : memref<32x512xf32, #tpu.memory_space<hbm>>) target(%arg9 : memref<32x512xf32, #tpu.memory_space<vmem>>) target_semaphore(%arg18 : memref<!tpu.dma_semaphore, #tpu.memory_space<semaphore_mem>>)
    %ne3A = arith.constant 15 : i32
    %ne3A_33 = arith.cmpi ne, %arg1, %ne3A : i32
    %convert_element_type3A = arith.extui %ne3A_33 : i1 to i32
    %cond3A = arith.constant 0 : i32
    %cond3A_34 = arith.cmpi ne, %convert_element_type3A, %cond3A : i32
    scf.if %cond3A_34 {
      %dma_start3A_633 = tpu.memref_slice %arg4[%mul3A_2] : memref<2000xi32, #tpu.memory_space<hbm>> -> memref<128xi32, #tpu.memory_space<hbm>>
      %dma_start3A_634 = tpu.memref_slice %arg4[%mul3A_2] : memref<2000xi32, #tpu.memory_space<hbm>> -> memref<128xi32, #tpu.memory_space<hbm>>
      tpu.enqueue_dma source(%dma_start3A_634 : memref<128xi32, #tpu.memory_space<hbm>>) target(%arg10 : memref<128xi32, #tpu.memory_space<vmem>>) target_semaphore(%arg20 : memref<!tpu.dma_semaphore, #tpu.memory_space<semaphore_mem>>)
      %dma_start3A_635 = tpu.memref_slice %arg5[%mul3A_2] : memref<2000xi32, #tpu.memory_space<hbm>> -> memref<128xi32, #tpu.memory_space<hbm>>
      %dma_start3A_636 = tpu.memref_slice %arg5[%mul3A_2] : memref<2000xi32, #tpu.memory_space<hbm>> -> memref<128xi32, #tpu.memory_space<hbm>>
      tpu.enqueue_dma source(%dma_start3A_636 : memref<128xi32, #tpu.memory_space<hbm>>) target(%arg11 : memref<128xi32, #tpu.memory_space<vmem>>) target_semaphore(%arg20 : memref<!tpu.dma_semaphore, #tpu.memory_space<semaphore_mem>>)
    } else {
    }
    %eq3A = arith.constant 15 : i32
    %eq3A_35 = arith.cmpi eq, %arg1, %eq3A : i32
    %convert_element_type3A_36 = arith.extui %eq3A_35 : i1 to i32
    %cond3A_37 = arith.constant 0 : i32
    %cond3A_38 = arith.cmpi ne, %convert_element_type3A_36, %cond3A_37 : i32
    scf.if %cond3A_38 {
      %dma_start3A_633 = arith.constant 0 : i32
      %dma_start3A_634 = tpu.memref_slice %arg10[%dma_start3A_633] : memref<128xi32, #tpu.memory_space<vmem>> -> memref<80xi32, #tpu.memory_space<vmem>>
      %dma_start3A_635 = tpu.memref_slice %arg4[%mul3A_2] : memref<2000xi32, #tpu.memory_space<hbm>> -> memref<80xi32, #tpu.memory_space<hbm>>
      %dma_start3A_636 = arith.constant 0 : i32
      %dma_start3A_637 = tpu.memref_slice %arg10[%dma_start3A_636] : memref<128xi32, #tpu.memory_space<vmem>> -> memref<80xi32, #tpu.memory_space<vmem>>
      %dma_start3A_638 = tpu.memref_slice %arg4[%mul3A_2] : memref<2000xi32, #tpu.memory_space<hbm>> -> memref<80xi32, #tpu.memory_space<hbm>>
      tpu.enqueue_dma source(%dma_start3A_638 : memref<80xi32, #tpu.memory_space<hbm>>) target(%dma_start3A_637 : memref<80xi32, #tpu.memory_space<vmem>>) target_semaphore(%arg20 : memref<!tpu.dma_semaphore, #tpu.memory_space<semaphore_mem>>)
      %dma_start3A_639 = arith.constant 0 : i32
      %dma_start3A_640 = tpu.memref_slice %arg11[%dma_start3A_639] : memref<128xi32, #tpu.memory_space<vmem>> -> memref<80xi32, #tpu.memory_space<vmem>>
      %dma_start3A_641 = tpu.memref_slice %arg5[%mul3A_2] : memref<2000xi32, #tpu.memory_space<hbm>> -> memref<80xi32, #tpu.memory_space<hbm>>
      %dma_start3A_642 = arith.constant 0 : i32
      %dma_start3A_643 = tpu.memref_slice %arg11[%dma_start3A_642] : memref<128xi32, #tpu.memory_space<vmem>> -> memref<80xi32, #tpu.memory_space<vmem>>
      %dma_start3A_644 = tpu.memref_slice %arg5[%mul3A_2] : memref<2000xi32, #tpu.memory_space<hbm>> -> memref<80xi32, #tpu.memory_space<hbm>>
      tpu.enqueue_dma source(%dma_start3A_644 : memref<80xi32, #tpu.memory_space<hbm>>) target(%dma_start3A_643 : memref<80xi32, #tpu.memory_space<vmem>>) target_semaphore(%arg20 : memref<!tpu.dma_semaphore, #tpu.memory_space<semaphore_mem>>)
    } else {
    }
    %mul3A_39 = arith.constant 2048 : i32
    %mul3A_40 = arith.muli %arg1, %mul3A_39 : i32
    %mul3A_41 = arith.constant 1024 : i32
    %mul3A_42 = arith.muli %arg0, %mul3A_41 : i32
    %add3A_43 = arith.addi %mul3A_40, %mul3A_42 : i32
    %dma_start3A_44 = tpu.memref_slice %arg3[%add3A_43] : memref<32768xf32, #tpu.memory_space<hbm>> -> memref<1024xf32, #tpu.memory_space<hbm>>
    %dma_start3A_45 = tpu.memref_slice %arg3[%add3A_43] : memref<32768xf32, #tpu.memory_space<hbm>> -> memref<1024xf32, #tpu.memory_space<hbm>>
    tpu.enqueue_dma source(%dma_start3A_45 : memref<1024xf32, #tpu.memory_space<hbm>>) target(%arg15 : memref<1024xf32, #tpu.memory_space<vmem>>) target_semaphore(%arg20 : memref<!tpu.dma_semaphore, #tpu.memory_space<semaphore_mem>>)
    %ne3A_46 = arith.constant 15 : i32
    %ne3A_47 = arith.cmpi ne, %arg1, %ne3A_46 : i32
    %convert_element_type3A_48 = arith.extui %ne3A_47 : i1 to i32
    %cond3A_49 = arith.constant 0 : i32
    %cond3A_50 = arith.cmpi ne, %convert_element_type3A_48, %cond3A_49 : i32
    scf.if %cond3A_50 {
      %dma_wait3A_633 = arith.constant 0 : i32
      %dma_wait3A_634 = tpu.memref_slice %arg4[%dma_wait3A_633] : memref<2000xi32, #tpu.memory_space<hbm>> -> memref<128xi32, #tpu.memory_space<hbm>>
      %dma_wait3A_635 = arith.constant 0 : i32
      %dma_wait3A_636 = tpu.memref_slice %arg4[%dma_wait3A_635] : memref<2000xi32, #tpu.memory_space<hbm>> -> memref<128xi32, #tpu.memory_space<hbm>>
      tpu.wait_dma2 semaphore(%arg20 : memref<!tpu.dma_semaphore, #tpu.memory_space<semaphore_mem>>) src(%dma_wait3A_636 : memref<128xi32, #tpu.memory_space<hbm>>) dst(%arg10 : memref<128xi32, #tpu.memory_space<vmem>>)
      %dma_wait3A_637 = arith.constant 0 : i32
      %dma_wait3A_638 = tpu.memref_slice %arg5[%dma_wait3A_637] : memref<2000xi32, #tpu.memory_space<hbm>> -> memref<128xi32, #tpu.memory_space<hbm>>
      %dma_wait3A_639 = arith.constant 0 : i32
      %dma_wait3A_640 = tpu.memref_slice %arg5[%dma_wait3A_639] : memref<2000xi32, #tpu.memory_space<hbm>> -> memref<128xi32, #tpu.memory_space<hbm>>
      tpu.wait_dma2 semaphore(%arg20 : memref<!tpu.dma_semaphore, #tpu.memory_space<semaphore_mem>>) src(%dma_wait3A_640 : memref<128xi32, #tpu.memory_space<hbm>>) dst(%arg11 : memref<128xi32, #tpu.memory_space<vmem>>)
    } else {
    }
    %eq3A_51 = arith.constant 15 : i32
    %eq3A_52 = arith.cmpi eq, %arg1, %eq3A_51 : i32
    %convert_element_type3A_53 = arith.extui %eq3A_52 : i1 to i32
    %cond3A_54 = arith.constant 0 : i32
    %cond3A_55 = arith.cmpi ne, %convert_element_type3A_53, %cond3A_54 : i32
    scf.if %cond3A_55 {
      %dma_wait3A_633 = arith.constant 0 : i32
      %dma_wait3A_634 = tpu.memref_slice %arg10[%dma_wait3A_633] : memref<128xi32, #tpu.memory_space<vmem>> -> memref<80xi32, #tpu.memory_space<vmem>>
      %dma_wait3A_635 = arith.constant 0 : i32
      %dma_wait3A_636 = tpu.memref_slice %arg4[%dma_wait3A_635] : memref<2000xi32, #tpu.memory_space<hbm>> -> memref<80xi32, #tpu.memory_space<hbm>>
      %dma_wait3A_637 = arith.constant 0 : i32
      %dma_wait3A_638 = tpu.memref_slice %arg10[%dma_wait3A_637] : memref<128xi32, #tpu.memory_space<vmem>> -> memref<80xi32, #tpu.memory_space<vmem>>
      %dma_wait3A_639 = arith.constant 0 : i32
      %dma_wait3A_640 = tpu.memref_slice %arg4[%dma_wait3A_639] : memref<2000xi32, #tpu.memory_space<hbm>> -> memref<80xi32, #tpu.memory_space<hbm>>
      tpu.wait_dma2 semaphore(%arg20 : memref<!tpu.dma_semaphore, #tpu.memory_space<semaphore_mem>>) src(%dma_wait3A_640 : memref<80xi32, #tpu.memory_space<hbm>>) dst(%dma_wait3A_638 : memref<80xi32, #tpu.memory_space<vmem>>)
      %dma_wait3A_641 = arith.constant 0 : i32
      %dma_wait3A_642 = tpu.memref_slice %arg11[%dma_wait3A_641] : memref<128xi32, #tpu.memory_space<vmem>> -> memref<80xi32, #tpu.memory_space<vmem>>
      %dma_wait3A_643 = arith.constant 0 : i32
      %dma_wait3A_644 = tpu.memref_slice %arg5[%dma_wait3A_643] : memref<2000xi32, #tpu.memory_space<hbm>> -> memref<80xi32, #tpu.memory_space<hbm>>
      %dma_wait3A_645 = arith.constant 0 : i32
      %dma_wait3A_646 = tpu.memref_slice %arg11[%dma_wait3A_645] : memref<128xi32, #tpu.memory_space<vmem>> -> memref<80xi32, #tpu.memory_space<vmem>>
      %dma_wait3A_647 = arith.constant 0 : i32
      %dma_wait3A_648 = tpu.memref_slice %arg5[%dma_wait3A_647] : memref<2000xi32, #tpu.memory_space<hbm>> -> memref<80xi32, #tpu.memory_space<hbm>>
      tpu.wait_dma2 semaphore(%arg20 : memref<!tpu.dma_semaphore, #tpu.memory_space<semaphore_mem>>) src(%dma_wait3A_648 : memref<80xi32, #tpu.memory_space<hbm>>) dst(%dma_wait3A_646 : memref<80xi32, #tpu.memory_space<vmem>>)
    } else {
    }
    %iota3A = tpu.iota {dimensions = array<i32: 0>} : vector<16xi32>
    %scan3A = arith.constant 0 : i32
    %scan3A_56 = arith.constant 0 : i32
    %scan3A_57 = arith.constant 8 : i32
    %scan3A_58 = arith.addi %scan3A_56, %scan3A_57 : i32
    %scan3A_59 = arith.constant 1 : i32
    scf.for %scan3A_633 = %scan3A_56 to %scan3A_58 step %scan3A_59  : i32 {
      %mul3A_634 = arith.constant 16 : i32
      %mul3A_635 = arith.muli %scan3A_633, %mul3A_634 : i32
      %get3A = arith.index_cast %mul3A_635 : i32 to index
      %get3A_636 = tpu.vector_load %arg10[%get3A] {strides = array<i32>} : memref<128xi32, #tpu.memory_space<vmem>>, vector<16xi32>,
      %get3A_637 = vector.shape_cast %get3A_636 : vector<16xi32> to vector<16xi32>
      %get3A_638 = arith.index_cast %mul3A_635 : i32 to index
      %get3A_639 = tpu.vector_load %arg11[%get3A_638] {strides = array<i32>} : memref<128xi32, #tpu.memory_space<vmem>>, vector<16xi32>,
      %get3A_640 = vector.shape_cast %get3A_639 : vector<16xi32> to vector<16xi32>
      %mul3A_641 = arith.constant 512 : i32
      %mul3A_642 = vector.broadcast %mul3A_641 : i32 to vector<16xi32>
      %mul3A_643 = arith.muli %get3A_637, %mul3A_642 : vector<16xi32>
      %add3A_644 = arith.addi %mul3A_643, %get3A_640 : vector<16xi32>
      %max3A = arith.constant 0 : i32
      %max3A_645 = vector.broadcast %max3A : i32 to vector<16xi32>
      %max3A_646 = arith.maxsi %add3A_644, %max3A_645 : vector<16xi32>
      %min3A = arith.constant 262143 : i32
      %min3A_647 = vector.broadcast %min3A : i32 to vector<16xi32>
      %min3A_648 = arith.minsi %max3A_646, %min3A_647 : vector<16xi32>
      %swap3A_649 = arith.index_cast %mul3A_635 : i32 to index
      %swap3A_650 = tpu.vector_load %arg12[%swap3A_649] {strides = array<i32>} : memref<128xi32, #tpu.memory_space<vmem>>, vector<16xi32>,
      %swap3A_651 = vector.shape_cast %swap3A_650 : vector<16xi32> to vector<16xi32>
      %swap3A_652 = vector.shape_cast %min3A_648 : vector<16xi32> to vector<16xi32>
      tpu.vector_store %arg12[%swap3A_649], %swap3A_652 {strides = array<i32>} : memref<128xi32, #tpu.memory_space<vmem>>, vector<16xi32>,
      %add3A_653 = arith.constant 0 : i32
      %add3A_654 = vector.broadcast %add3A_653 : i32 to vector<16xi32>
      %add3A_655 = arith.addi %min3A_648, %add3A_654 : vector<16xi32>
      %swap3A_656 = arith.constant 0 : i32
      %swap3A_657 = arith.index_cast %swap3A_656 : i32 to index
      %swap3A_658 = arith.index_cast %mul3A_635 : i32 to index
      %swap3A_659 = tpu.vector_load %arg13[%swap3A_657, %swap3A_658] {strides = array<i32>} : memref<2x128xi32, #tpu.memory_space<vmem>>, vector<1x16xi32>,
      %swap3A_660 = vector.shape_cast %swap3A_659 : vector<1x16xi32> to vector<16xi32>
      %swap3A_661 = vector.shape_cast %add3A_655 : vector<16xi32> to vector<1x16xi32>
      tpu.vector_store %arg13[%swap3A_657, %swap3A_658], %swap3A_661 {strides = array<i32>} : memref<2x128xi32, #tpu.memory_space<vmem>>, vector<1x16xi32>,
      %add3A_662 = arith.constant 262144 : i32
      %add3A_663 = vector.broadcast %add3A_662 : i32 to vector<16xi32>
      %add3A_664 = arith.addi %min3A_648, %add3A_663 : vector<16xi32>
      %swap3A_665 = arith.constant 1 : i32
      %swap3A_666 = arith.index_cast %swap3A_665 : i32 to index
      %swap3A_667 = arith.index_cast %mul3A_635 : i32 to index
      %swap3A_668 = tpu.vector_load %arg13[%swap3A_666, %swap3A_667] {strides = array<i32>} : memref<2x128xi32, #tpu.memory_space<vmem>>, vector<1x16xi32>,
      %swap3A_669 = vector.shape_cast %swap3A_668 : vector<1x16xi32> to vector<16xi32>
      %swap3A_670 = vector.shape_cast %add3A_664 : vector<16xi32> to vector<1x16xi32>
      tpu.vector_store %arg13[%swap3A_666, %swap3A_667], %swap3A_670 {strides = array<i32>} : memref<2x128xi32, #tpu.memory_space<vmem>>, vector<1x16xi32>,
      %add3A_671 = arith.addi %mul3A_2, %mul3A_635 : i32
      %add3A_672 = vector.broadcast %add3A_671 : i32 to vector<16xi32>
      %add3A_673 = arith.addi %add3A_672, %iota3A : vector<16xi32>
      %sub3A = arith.constant 2000 : i32
      %sub3A_674 = vector.broadcast %sub3A : i32 to vector<16xi32>
      %sub3A_675 = arith.subi %sub3A_674, %add3A_673 : vector<16xi32>
      %max3A_676 = arith.constant 0 : i32
      %max3A_677 = vector.broadcast %max3A_676 : i32 to vector<16xi32>
      %max3A_678 = arith.maxsi %sub3A_675, %max3A_677 : vector<16xi32>
      %min3A_679 = arith.constant 1 : i32
      %min3A_680 = vector.broadcast %min3A_679 : i32 to vector<16xi32>
      %min3A_681 = arith.minsi %max3A_678, %min3A_680 : vector<16xi32>
      %convert_element_type3A_682 = arith.sitofp %min3A_681 : vector<16xi32> to vector<16xf32>
      %swap3A_683 = arith.index_cast %mul3A_635 : i32 to index
      %swap3A_684 = tpu.vector_load %arg16[%swap3A_683] {strides = array<i32>} : memref<128xf32, #tpu.memory_space<vmem>>, vector<16xf32>,
      %swap3A_685 = vector.shape_cast %swap3A_684 : vector<16xf32> to vector<16xf32>
      %swap3A_686 = vector.shape_cast %convert_element_type3A_682 : vector<16xf32> to vector<16xf32>
      tpu.vector_store %arg16[%swap3A_683], %swap3A_686 {strides = array<i32>} : memref<128xf32, #tpu.memory_space<vmem>>, vector<16xf32>,
    }
    %scan3A_60 = arith.constant 8 : i32
    %dma_wait3A = tpu.memref_slice %arg3[%add3A_43] : memref<32768xf32, #tpu.memory_space<hbm>> -> memref<1024xf32, #tpu.memory_space<hbm>>
    %dma_wait3A_61 = tpu.memref_slice %arg3[%add3A_43] : memref<32768xf32, #tpu.memory_space<hbm>> -> memref<1024xf32, #tpu.memory_space<hbm>>
    tpu.wait_dma2 semaphore(%arg20 : memref<!tpu.dma_semaphore, #tpu.memory_space<semaphore_mem>>) src(%dma_wait3A_61 : memref<1024xf32, #tpu.memory_space<hbm>>) dst(%arg15 : memref<1024xf32, #tpu.memory_space<vmem>>)
    %broadcast_in_dim3A = arith.constant 0.000000e+00 : f32
    %broadcast_in_dim3A_62 = vector.broadcast %broadcast_in_dim3A : f32 to vector<16xf32>
    %mul3A_63 = arith.constant 8 : i32
    %mul3A_64 = arith.muli %arg0, %mul3A_63 : i32
    %add3A_65 = arith.constant 0 : i32
    %add3A_66 = arith.addi %mul3A_64, %add3A_65 : i32
    %mul3A_67 = arith.constant 512 : i32
    %mul3A_68 = arith.muli %add3A_66, %mul3A_67 : i32
    %mul3A_69 = arith.constant 64 : i32
    %mul3A_70 = arith.muli %arg1, %mul3A_69 : i32
    %add3A_71 = arith.addi %mul3A_68, %mul3A_70 : i32
    %add3A_72 = arith.constant 0 : i32
    %add3A_73 = arith.addi %add3A_71, %add3A_72 : i32
    %multiple_of3A_74 = tpu.assume_multiple %add3A_73, 8 : i32
    %dma_wait3A_75 = arith.constant 0 : i32
    %dma_wait3A_76 = tpu.memref_slice %arg2[%multiple_of3A_74, %dma_wait3A_75] : memref<8192x512xf32, #tpu.memory_space<hbm>> -> memref<32x512xf32, #tpu.memory_space<hbm>>
    %dma_wait3A_77 = arith.constant 0 : i32
    %dma_wait3A_78 = tpu.memref_slice %arg2[%multiple_of3A_74, %dma_wait3A_77] : memref<8192x512xf32, #tpu.memory_space<hbm>> -> memref<32x512xf32, #tpu.memory_space<hbm>>
    tpu.wait_dma2 semaphore(%arg18 : memref<!tpu.dma_semaphore, #tpu.memory_space<semaphore_mem>>) src(%dma_wait3A_78 : memref<32x512xf32, #tpu.memory_space<hbm>>) dst(%arg8 : memref<32x512xf32, #tpu.memory_space<vmem>>)
    %mul3A_79 = arith.constant 64 : i32
    %mul3A_80 = arith.muli %arg1, %mul3A_79 : i32
    %add3A_81 = arith.constant 0 : i32
    %add3A_82 = arith.addi %mul3A_80, %add3A_81 : i32
    %scan3A_83 = arith.constant 0 : i32
    %scan3A_84 = arith.constant 0 : i32
    %scan3A_85 = arith.constant 32 : i32
    %scan3A_86 = arith.addi %scan3A_84, %scan3A_85 : i32
    %scan3A_87 = arith.constant 1 : i32
    scf.for %scan3A_633 = %scan3A_84 to %scan3A_86 step %scan3A_87  : i32 {
      %add3A_634 = arith.addi %add3A_82, %scan3A_633 : i32
      %mul3A_635 = arith.constant 512 : i32
      %mul3A_636 = arith.muli %add3A_634, %mul3A_635 : i32
      %dma_start3A_637 = arith.constant 0 : i32
      %dma_start3A_638 = tpu.memref_slice %arg8[%scan3A_633, %dma_start3A_637] : memref<32x512xf32, #tpu.memory_space<vmem>> -> memref<1x512xf32, #tpu.memory_space<vmem>>
      %dma_start3A_639 = tpu.memref_squeeze %dma_start3A_638 : memref<1x512xf32, #tpu.memory_space<vmem>> -> memref<512xf32, #tpu.memory_space<vmem>>
      %dma_start3A_640 = tpu.memref_slice %arg7[%mul3A_636] : memref<524288xf32, #tpu.memory_space<vmem_shared>> -> memref<512xf32, #tpu.memory_space<vmem_shared>>
      %dma_start3A_641 = tpu.memref_slice %arg7[%mul3A_636] : memref<524288xf32, #tpu.memory_space<vmem_shared>> -> memref<512xf32, #tpu.memory_space<vmem_shared>>
      %dma_start3A_642 = arith.constant 0 : i32
      %dma_start3A_643 = tpu.memref_slice %arg8[%scan3A_633, %dma_start3A_642] : memref<32x512xf32, #tpu.memory_space<vmem>> -> memref<1x512xf32, #tpu.memory_space<vmem>>
      %dma_start3A_644 = tpu.memref_squeeze %dma_start3A_643 : memref<1x512xf32, #tpu.memory_space<vmem>> -> memref<512xf32, #tpu.memory_space<vmem>>
      tpu.enqueue_dma source(%dma_start3A_644 : memref<512xf32, #tpu.memory_space<vmem>>) target(%dma_start3A_641 : memref<512xf32, #tpu.memory_space<vmem_shared>>) target_semaphore(%arg19 : memref<!tpu.dma_semaphore, #tpu.memory_space<semaphore_mem>>)
    }
    %scan3A_88 = arith.constant 32 : i32
    %mul3A_89 = arith.constant 8 : i32
    %mul3A_90 = arith.muli %arg0, %mul3A_89 : i32
    %add3A_91 = arith.constant 0 : i32
    %add3A_92 = arith.addi %mul3A_90, %add3A_91 : i32
    %mul3A_93 = arith.constant 512 : i32
    %mul3A_94 = arith.muli %add3A_92, %mul3A_93 : i32
    %mul3A_95 = arith.constant 64 : i32
    %mul3A_96 = arith.muli %arg1, %mul3A_95 : i32
    %add3A_97 = arith.addi %mul3A_94, %mul3A_96 : i32
    %add3A_98 = arith.constant 32 : i32
    %add3A_99 = arith.addi %add3A_97, %add3A_98 : i32
    %multiple_of3A_100 = tpu.assume_multiple %add3A_99, 8 : i32
    %dma_wait3A_101 = arith.constant 0 : i32
    %dma_wait3A_102 = tpu.memref_slice %arg2[%multiple_of3A_100, %dma_wait3A_101] : memref<8192x512xf32, #tpu.memory_space<hbm>> -> memref<32x512xf32, #tpu.memory_space<hbm>>
    %dma_wait3A_103 = arith.constant 0 : i32
    %dma_wait3A_104 = tpu.memref_slice %arg2[%multiple_of3A_100, %dma_wait3A_103] : memref<8192x512xf32, #tpu.memory_space<hbm>> -> memref<32x512xf32, #tpu.memory_space<hbm>>
    tpu.wait_dma2 semaphore(%arg18 : memref<!tpu.dma_semaphore, #tpu.memory_space<semaphore_mem>>) src(%dma_wait3A_104 : memref<32x512xf32, #tpu.memory_space<hbm>>) dst(%arg9 : memref<32x512xf32, #tpu.memory_space<vmem>>)
    %mul3A_105 = arith.constant 64 : i32
    %mul3A_106 = arith.muli %arg1, %mul3A_105 : i32
    %add3A_107 = arith.constant 32 : i32
    %add3A_108 = arith.addi %mul3A_106, %add3A_107 : i32
    %scan3A_109 = arith.constant 0 : i32
    %scan3A_110 = arith.constant 0 : i32
    %scan3A_111 = arith.constant 32 : i32
    %scan3A_112 = arith.addi %scan3A_110, %scan3A_111 : i32
    %scan3A_113 = arith.constant 1 : i32
    scf.for %scan3A_633 = %scan3A_110 to %scan3A_112 step %scan3A_113  : i32 {
      %add3A_634 = arith.addi %add3A_108, %scan3A_633 : i32
      %mul3A_635 = arith.constant 512 : i32
      %mul3A_636 = arith.muli %add3A_634, %mul3A_635 : i32
      %dma_start3A_637 = arith.constant 0 : i32
      %dma_start3A_638 = tpu.memref_slice %arg9[%scan3A_633, %dma_start3A_637] : memref<32x512xf32, #tpu.memory_space<vmem>> -> memref<1x512xf32, #tpu.memory_space<vmem>>
      %dma_start3A_639 = tpu.memref_squeeze %dma_start3A_638 : memref<1x512xf32, #tpu.memory_space<vmem>> -> memref<512xf32, #tpu.memory_space<vmem>>
      %dma_start3A_640 = tpu.memref_slice %arg7[%mul3A_636] : memref<524288xf32, #tpu.memory_space<vmem_shared>> -> memref<512xf32, #tpu.memory_space<vmem_shared>>
      %dma_start3A_641 = tpu.memref_slice %arg7[%mul3A_636] : memref<524288xf32, #tpu.memory_space<vmem_shared>> -> memref<512xf32, #tpu.memory_space<vmem_shared>>
      %dma_start3A_642 = arith.constant 0 : i32
      %dma_start3A_643 = tpu.memref_slice %arg9[%scan3A_633, %dma_start3A_642] : memref<32x512xf32, #tpu.memory_space<vmem>> -> memref<1x512xf32, #tpu.memory_space<vmem>>
      %dma_start3A_644 = tpu.memref_squeeze %dma_start3A_643 : memref<1x512xf32, #tpu.memory_space<vmem>> -> memref<512xf32, #tpu.memory_space<vmem>>
      tpu.enqueue_dma source(%dma_start3A_644 : memref<512xf32, #tpu.memory_space<vmem>>) target(%dma_start3A_641 : memref<512xf32, #tpu.memory_space<vmem_shared>>) target_semaphore(%arg19 : memref<!tpu.dma_semaphore, #tpu.memory_space<semaphore_mem>>)
    }
    %scan3A_114 = arith.constant 32 : i32
    %dma_wait3A_115 = arith.constant 0 : i32
    %dma_wait3A_116 = arith.constant 0 : i32
    %dma_wait3A_117 = tpu.memref_slice %arg2[%dma_wait3A_115, %dma_wait3A_116] : memref<8192x512xf32, #tpu.memory_space<hbm>> -> memref<32x512xf32, #tpu.memory_space<hbm>>
    %dma_wait3A_118 = arith.constant 0 : i32
    %dma_wait3A_119 = arith.constant 0 : i32
    %dma_wait3A_120 = tpu.memref_slice %arg2[%dma_wait3A_118, %dma_wait3A_119] : memref<8192x512xf32, #tpu.memory_space<hbm>> -> memref<32x512xf32, #tpu.memory_space<hbm>>
    tpu.wait_dma2 semaphore(%arg19 : memref<!tpu.dma_semaphore, #tpu.memory_space<semaphore_mem>>) src(%dma_wait3A_120 : memref<32x512xf32, #tpu.memory_space<hbm>>) dst(%arg8 : memref<32x512xf32, #tpu.memory_space<vmem>>)
    %dma_wait3A_121 = arith.constant 0 : i32
    %dma_wait3A_122 = arith.constant 0 : i32
    %dma_wait3A_123 = tpu.memref_slice %arg2[%dma_wait3A_121, %dma_wait3A_122] : memref<8192x512xf32, #tpu.memory_space<hbm>> -> memref<32x512xf32, #tpu.memory_space<hbm>>
    %dma_wait3A_124 = arith.constant 0 : i32
    %dma_wait3A_125 = arith.constant 0 : i32
    %dma_wait3A_126 = tpu.memref_slice %arg2[%dma_wait3A_124, %dma_wait3A_125] : memref<8192x512xf32, #tpu.memory_space<hbm>> -> memref<32x512xf32, #tpu.memory_space<hbm>>
    tpu.wait_dma2 semaphore(%arg19 : memref<!tpu.dma_semaphore, #tpu.memory_space<semaphore_mem>>) src(%dma_wait3A_126 : memref<32x512xf32, #tpu.memory_space<hbm>>) dst(%arg9 : memref<32x512xf32, #tpu.memory_space<vmem>>)
    %mul3A_127 = arith.constant 8 : i32
    %mul3A_128 = arith.muli %arg0, %mul3A_127 : i32
    %add3A_129 = arith.constant 2 : i32
    %add3A_130 = arith.addi %mul3A_128, %add3A_129 : i32
    %mul3A_131 = arith.constant 512 : i32
    %mul3A_132 = arith.muli %add3A_130, %mul3A_131 : i32
    %mul3A_133 = arith.constant 64 : i32
    %mul3A_134 = arith.muli %arg1, %mul3A_133 : i32
    %add3A_135 = arith.addi %mul3A_132, %mul3A_134 : i32
    %add3A_136 = arith.constant 0 : i32
    %add3A_137 = arith.addi %add3A_135, %add3A_136 : i32
    %multiple_of3A_138 = tpu.assume_multiple %add3A_137, 8 : i32
    %dma_start3A_139 = arith.constant 0 : i32
    %dma_start3A_140 = tpu.memref_slice %arg2[%multiple_of3A_138, %dma_start3A_139] : memref<8192x512xf32, #tpu.memory_space<hbm>> -> memref<32x512xf32, #tpu.memory_space<hbm>>
    %dma_start3A_141 = arith.constant 0 : i32
    %dma_start3A_142 = tpu.memref_slice %arg2[%multiple_of3A_138, %dma_start3A_141] : memref<8192x512xf32, #tpu.memory_space<hbm>> -> memref<32x512xf32, #tpu.memory_space<hbm>>
    tpu.enqueue_dma source(%dma_start3A_142 : memref<32x512xf32, #tpu.memory_space<hbm>>) target(%arg8 : memref<32x512xf32, #tpu.memory_space<vmem>>) target_semaphore(%arg18 : memref<!tpu.dma_semaphore, #tpu.memory_space<semaphore_mem>>)
    %mul3A_143 = arith.constant 8 : i32
    %mul3A_144 = arith.muli %arg0, %mul3A_143 : i32
    %add3A_145 = arith.constant 2 : i32
    %add3A_146 = arith.addi %mul3A_144, %add3A_145 : i32
    %mul3A_147 = arith.constant 512 : i32
    %mul3A_148 = arith.muli %add3A_146, %mul3A_147 : i32
    %mul3A_149 = arith.constant 64 : i32
    %mul3A_150 = arith.muli %arg1, %mul3A_149 : i32
    %add3A_151 = arith.addi %mul3A_148, %mul3A_150 : i32
    %add3A_152 = arith.constant 32 : i32
    %add3A_153 = arith.addi %add3A_151, %add3A_152 : i32
    %multiple_of3A_154 = tpu.assume_multiple %add3A_153, 8 : i32
    %dma_start3A_155 = arith.constant 0 : i32
    %dma_start3A_156 = tpu.memref_slice %arg2[%multiple_of3A_154, %dma_start3A_155] : memref<8192x512xf32, #tpu.memory_space<hbm>> -> memref<32x512xf32, #tpu.memory_space<hbm>>
    %dma_start3A_157 = arith.constant 0 : i32
    %dma_start3A_158 = tpu.memref_slice %arg2[%multiple_of3A_154, %dma_start3A_157] : memref<8192x512xf32, #tpu.memory_space<hbm>> -> memref<32x512xf32, #tpu.memory_space<hbm>>
    tpu.enqueue_dma source(%dma_start3A_158 : memref<32x512xf32, #tpu.memory_space<hbm>>) target(%arg9 : memref<32x512xf32, #tpu.memory_space<vmem>>) target_semaphore(%arg18 : memref<!tpu.dma_semaphore, #tpu.memory_space<semaphore_mem>>)
    %barrier3A = arith.constant 0 : index
    tpu.barrier barrier_id(%barrier3A)
    %dma_start3A_159 = arith.constant 0 : i32
    %dma_start3A_160 = arith.constant 0 : i32
    %dma_start3A_161 = arith.constant 0 : i32
    %dma_start3A_162 = tpu.memref_slice %arg14[%dma_start3A_160, %dma_start3A_161] : memref<2x128xf32, #tpu.memory_space<vmem>> -> memref<1x128xf32, #tpu.memory_space<vmem>>
    %dma_start3A_163 = tpu.memref_squeeze %dma_start3A_162 : memref<1x128xf32, #tpu.memory_space<vmem>> -> memref<128xf32, #tpu.memory_space<vmem>>
    %dma_start3A_164 = arith.constant 0 : i32
    %dma_start3A_165 = tpu.memref_slice %arg13[%dma_start3A_159, %dma_start3A_164] : memref<2x128xi32, #tpu.memory_space<vmem>> -> memref<1x128xi32, #tpu.memory_space<vmem>>
    %dma_start3A_166 = tpu.memref_squeeze %dma_start3A_165 : memref<1x128xi32, #tpu.memory_space<vmem>> -> memref<128xi32, #tpu.memory_space<vmem>>
    %dma_start3A_167 = arith.constant 0 : i32
    %dma_start3A_168 = tpu.memref_slice %arg7[%dma_start3A_167] : memref<524288xf32, #tpu.memory_space<vmem_shared>> -> memref<524288xf32, #tpu.memory_space<vmem_shared>>
    tpu.enqueue_indirect_dma source(%dma_start3A_168 : memref<524288xf32, #tpu.memory_space<vmem_shared>>) target(%dma_start3A_163 : memref<128xf32, #tpu.memory_space<vmem>>) offsets(%dma_start3A_166 : memref<128xi32, #tpu.memory_space<vmem>>) semaphore(%arg20 : memref<!tpu.dma_semaphore, #tpu.memory_space<semaphore_mem>>)
    %dma_start3A_169 = arith.constant 1 : i32
    %dma_start3A_170 = arith.constant 1 : i32
    %dma_start3A_171 = arith.constant 0 : i32
    %dma_start3A_172 = tpu.memref_slice %arg14[%dma_start3A_170, %dma_start3A_171] : memref<2x128xf32, #tpu.memory_space<vmem>> -> memref<1x128xf32, #tpu.memory_space<vmem>>
    %dma_start3A_173 = tpu.memref_squeeze %dma_start3A_172 : memref<1x128xf32, #tpu.memory_space<vmem>> -> memref<128xf32, #tpu.memory_space<vmem>>
    %dma_start3A_174 = arith.constant 0 : i32
    %dma_start3A_175 = tpu.memref_slice %arg13[%dma_start3A_169, %dma_start3A_174] : memref<2x128xi32, #tpu.memory_space<vmem>> -> memref<1x128xi32, #tpu.memory_space<vmem>>
    %dma_start3A_176 = tpu.memref_squeeze %dma_start3A_175 : memref<1x128xi32, #tpu.memory_space<vmem>> -> memref<128xi32, #tpu.memory_space<vmem>>
    %dma_start3A_177 = arith.constant 0 : i32
    %dma_start3A_178 = tpu.memref_slice %arg7[%dma_start3A_177] : memref<524288xf32, #tpu.memory_space<vmem_shared>> -> memref<524288xf32, #tpu.memory_space<vmem_shared>>
    tpu.enqueue_indirect_dma source(%dma_start3A_178 : memref<524288xf32, #tpu.memory_space<vmem_shared>>) target(%dma_start3A_173 : memref<128xf32, #tpu.memory_space<vmem>>) offsets(%dma_start3A_176 : memref<128xi32, #tpu.memory_space<vmem>>) semaphore(%arg20 : memref<!tpu.dma_semaphore, #tpu.memory_space<semaphore_mem>>)
    %dma_wait3A_179 = arith.constant 0 : i32
    %dma_wait3A_180 = arith.constant 0 : i32
    %dma_wait3A_181 = arith.constant 0 : i32
    %dma_wait3A_182 = tpu.memref_slice %arg14[%dma_wait3A_180, %dma_wait3A_181] : memref<2x128xf32, #tpu.memory_space<vmem>> -> memref<1x128xf32, #tpu.memory_space<vmem>>
    %dma_wait3A_183 = tpu.memref_squeeze %dma_wait3A_182 : memref<1x128xf32, #tpu.memory_space<vmem>> -> memref<128xf32, #tpu.memory_space<vmem>>
    %dma_wait3A_184 = arith.constant 0 : i32
    %dma_wait3A_185 = tpu.memref_slice %arg13[%dma_wait3A_179, %dma_wait3A_184] : memref<2x128xi32, #tpu.memory_space<vmem>> -> memref<1x128xi32, #tpu.memory_space<vmem>>
    %dma_wait3A_186 = tpu.memref_squeeze %dma_wait3A_185 : memref<1x128xi32, #tpu.memory_space<vmem>> -> memref<128xi32, #tpu.memory_space<vmem>>
    %dma_wait3A_187 = arith.constant 0 : i32
    %dma_wait3A_188 = tpu.memref_slice %arg7[%dma_wait3A_187] : memref<524288xf32, #tpu.memory_space<vmem_shared>> -> memref<524288xf32, #tpu.memory_space<vmem_shared>>
    tpu.wait_indirect_dma semaphore(%arg20 : memref<!tpu.dma_semaphore, #tpu.memory_space<semaphore_mem>>) src(%dma_wait3A_188 : memref<524288xf32, #tpu.memory_space<vmem_shared>>) dst(%dma_wait3A_183 : memref<128xf32, #tpu.memory_space<vmem>>)
    %dma_wait3A_189 = arith.constant 1 : i32
    %dma_wait3A_190 = arith.constant 1 : i32
    %dma_wait3A_191 = arith.constant 0 : i32
    %dma_wait3A_192 = tpu.memref_slice %arg14[%dma_wait3A_190, %dma_wait3A_191] : memref<2x128xf32, #tpu.memory_space<vmem>> -> memref<1x128xf32, #tpu.memory_space<vmem>>
    %dma_wait3A_193 = tpu.memref_squeeze %dma_wait3A_192 : memref<1x128xf32, #tpu.memory_space<vmem>> -> memref<128xf32, #tpu.memory_space<vmem>>
    %dma_wait3A_194 = arith.constant 0 : i32
    %dma_wait3A_195 = tpu.memref_slice %arg13[%dma_wait3A_189, %dma_wait3A_194] : memref<2x128xi32, #tpu.memory_space<vmem>> -> memref<1x128xi32, #tpu.memory_space<vmem>>
    %dma_wait3A_196 = tpu.memref_squeeze %dma_wait3A_195 : memref<1x128xi32, #tpu.memory_space<vmem>> -> memref<128xi32, #tpu.memory_space<vmem>>
    %dma_wait3A_197 = arith.constant 0 : i32
    %dma_wait3A_198 = tpu.memref_slice %arg7[%dma_wait3A_197] : memref<524288xf32, #tpu.memory_space<vmem_shared>> -> memref<524288xf32, #tpu.memory_space<vmem_shared>>
    tpu.wait_indirect_dma semaphore(%arg20 : memref<!tpu.dma_semaphore, #tpu.memory_space<semaphore_mem>>) src(%dma_wait3A_198 : memref<524288xf32, #tpu.memory_space<vmem_shared>>) dst(%dma_wait3A_193 : memref<128xf32, #tpu.memory_space<vmem>>)
    %scan3A_199 = arith.constant 0 : i32
    %scan3A_200 = arith.constant 8 : i32
    %scan3A_201 = arith.addi %scan3A_199, %scan3A_200 : i32
    %scan3A_202 = arith.constant 1 : i32
    %scan3A_203 = scf.for %scan3A_633 = %scan3A_199 to %scan3A_201 step %scan3A_202 iter_args(%scan3A_634 = %broadcast_in_dim3A_62) -> (vector<16xf32>)  : i32 {
      %mul3A_635 = arith.constant 16 : i32
      %mul3A_636 = arith.muli %scan3A_633, %mul3A_635 : i32
      %get3A = arith.constant 0 : i32
      %get3A_637 = arith.index_cast %get3A : i32 to index
      %get3A_638 = arith.index_cast %mul3A_636 : i32 to index
      %get3A_639 = tpu.vector_load %arg14[%get3A_637, %get3A_638] {strides = array<i32>} : memref<2x128xf32, #tpu.memory_space<vmem>>, vector<1x16xf32>,
      %get3A_640 = vector.shape_cast %get3A_639 : vector<1x16xf32> to vector<16xf32>
      %add3A_641 = arith.constant 0 : i32
      %add3A_642 = arith.addi %add3A_641, %mul3A_636 : i32
      %get3A_643 = arith.index_cast %add3A_642 : i32 to index
      %get3A_644 = tpu.vector_load %arg15[%get3A_643] {strides = array<i32>} : memref<1024xf32, #tpu.memory_space<vmem>>, vector<16xf32>,
      %get3A_645 = vector.shape_cast %get3A_644 : vector<16xf32> to vector<16xf32>
      %sub3A = arith.subf %get3A_640, %get3A_645 : vector<16xf32>
      %abs3A = math.absf %sub3A : vector<16xf32>
      %get3A_646 = arith.index_cast %mul3A_636 : i32 to index
      %get3A_647 = tpu.vector_load %arg16[%get3A_646] {strides = array<i32>} : memref<128xf32, #tpu.memory_space<vmem>>, vector<16xf32>,
      %get3A_648 = vector.shape_cast %get3A_647 : vector<16xf32> to vector<16xf32>
      %mul3A_649 = arith.mulf %abs3A, %get3A_648 : vector<16xf32>
      %add3A_650 = arith.addf %scan3A_634, %mul3A_649 : vector<16xf32>
      scf.yield %add3A_650 : vector<16xf32>
    }
    %scan3A_204 = arith.constant 8 : i32
    %scan3A_205 = arith.constant 0 : i32
    %scan3A_206 = arith.constant 8 : i32
    %scan3A_207 = arith.addi %scan3A_205, %scan3A_206 : i32
    %scan3A_208 = arith.constant 1 : i32
    %scan3A_209 = scf.for %scan3A_633 = %scan3A_205 to %scan3A_207 step %scan3A_208 iter_args(%scan3A_634 = %scan3A_203) -> (vector<16xf32>)  : i32 {
      %mul3A_635 = arith.constant 16 : i32
      %mul3A_636 = arith.muli %scan3A_633, %mul3A_635 : i32
      %get3A = arith.constant 1 : i32
      %get3A_637 = arith.index_cast %get3A : i32 to index
      %get3A_638 = arith.index_cast %mul3A_636 : i32 to index
      %get3A_639 = tpu.vector_load %arg14[%get3A_637, %get3A_638] {strides = array<i32>} : memref<2x128xf32, #tpu.memory_space<vmem>>, vector<1x16xf32>,
      %get3A_640 = vector.shape_cast %get3A_639 : vector<1x16xf32> to vector<16xf32>
      %add3A_641 = arith.constant 128 : i32
      %add3A_642 = arith.addi %add3A_641, %mul3A_636 : i32
      %get3A_643 = arith.index_cast %add3A_642 : i32 to index
      %get3A_644 = tpu.vector_load %arg15[%get3A_643] {strides = array<i32>} : memref<1024xf32, #tpu.memory_space<vmem>>, vector<16xf32>,
      %get3A_645 = vector.shape_cast %get3A_644 : vector<16xf32> to vector<16xf32>
      %sub3A = arith.subf %get3A_640, %get3A_645 : vector<16xf32>
      %abs3A = math.absf %sub3A : vector<16xf32>
      %get3A_646 = arith.index_cast %mul3A_636 : i32 to index
      %get3A_647 = tpu.vector_load %arg16[%get3A_646] {strides = array<i32>} : memref<128xf32, #tpu.memory_space<vmem>>, vector<16xf32>,
      %get3A_648 = vector.shape_cast %get3A_647 : vector<16xf32> to vector<16xf32>
      %mul3A_649 = arith.mulf %abs3A, %get3A_648 : vector<16xf32>
      %add3A_650 = arith.addf %scan3A_634, %mul3A_649 : vector<16xf32>
      scf.yield %add3A_650 : vector<16xf32>
    }
    %scan3A_210 = arith.constant 8 : i32
    %barrier3A_211 = arith.constant 0 : index
    tpu.barrier barrier_id(%barrier3A_211)
    %mul3A_212 = arith.constant 8 : i32
    %mul3A_213 = arith.muli %arg0, %mul3A_212 : i32
    %add3A_214 = arith.constant 2 : i32
    %add3A_215 = arith.addi %mul3A_213, %add3A_214 : i32
    %mul3A_216 = arith.constant 512 : i32
    %mul3A_217 = arith.muli %add3A_215, %mul3A_216 : i32
    %mul3A_218 = arith.constant 64 : i32
    %mul3A_219 = arith.muli %arg1, %mul3A_218 : i32
    %add3A_220 = arith.addi %mul3A_217, %mul3A_219 : i32
    %add3A_221 = arith.constant 0 : i32
    %add3A_222 = arith.addi %add3A_220, %add3A_221 : i32
    %multiple_of3A_223 = tpu.assume_multiple %add3A_222, 8 : i32
    %dma_wait3A_224 = arith.constant 0 : i32
    %dma_wait3A_225 = tpu.memref_slice %arg2[%multiple_of3A_223, %dma_wait3A_224] : memref<8192x512xf32, #tpu.memory_space<hbm>> -> memref<32x512xf32, #tpu.memory_space<hbm>>
    %dma_wait3A_226 = arith.constant 0 : i32
    %dma_wait3A_227 = tpu.memref_slice %arg2[%multiple_of3A_223, %dma_wait3A_226] : memref<8192x512xf32, #tpu.memory_space<hbm>> -> memref<32x512xf32, #tpu.memory_space<hbm>>
    tpu.wait_dma2 semaphore(%arg18 : memref<!tpu.dma_semaphore, #tpu.memory_space<semaphore_mem>>) src(%dma_wait3A_227 : memref<32x512xf32, #tpu.memory_space<hbm>>) dst(%arg8 : memref<32x512xf32, #tpu.memory_space<vmem>>)
    %mul3A_228 = arith.constant 64 : i32
    %mul3A_229 = arith.muli %arg1, %mul3A_228 : i32
    %add3A_230 = arith.constant 0 : i32
    %add3A_231 = arith.addi %mul3A_229, %add3A_230 : i32
    %scan3A_232 = arith.constant 0 : i32
    %scan3A_233 = arith.constant 0 : i32
    %scan3A_234 = arith.constant 32 : i32
    %scan3A_235 = arith.addi %scan3A_233, %scan3A_234 : i32
    %scan3A_236 = arith.constant 1 : i32
    scf.for %scan3A_633 = %scan3A_233 to %scan3A_235 step %scan3A_236  : i32 {
      %add3A_634 = arith.addi %add3A_231, %scan3A_633 : i32
      %mul3A_635 = arith.constant 512 : i32
      %mul3A_636 = arith.muli %add3A_634, %mul3A_635 : i32
      %dma_start3A_637 = arith.constant 0 : i32
      %dma_start3A_638 = tpu.memref_slice %arg8[%scan3A_633, %dma_start3A_637] : memref<32x512xf32, #tpu.memory_space<vmem>> -> memref<1x512xf32, #tpu.memory_space<vmem>>
      %dma_start3A_639 = tpu.memref_squeeze %dma_start3A_638 : memref<1x512xf32, #tpu.memory_space<vmem>> -> memref<512xf32, #tpu.memory_space<vmem>>
      %dma_start3A_640 = tpu.memref_slice %arg7[%mul3A_636] : memref<524288xf32, #tpu.memory_space<vmem_shared>> -> memref<512xf32, #tpu.memory_space<vmem_shared>>
      %dma_start3A_641 = tpu.memref_slice %arg7[%mul3A_636] : memref<524288xf32, #tpu.memory_space<vmem_shared>> -> memref<512xf32, #tpu.memory_space<vmem_shared>>
      %dma_start3A_642 = arith.constant 0 : i32
      %dma_start3A_643 = tpu.memref_slice %arg8[%scan3A_633, %dma_start3A_642] : memref<32x512xf32, #tpu.memory_space<vmem>> -> memref<1x512xf32, #tpu.memory_space<vmem>>
      %dma_start3A_644 = tpu.memref_squeeze %dma_start3A_643 : memref<1x512xf32, #tpu.memory_space<vmem>> -> memref<512xf32, #tpu.memory_space<vmem>>
      tpu.enqueue_dma source(%dma_start3A_644 : memref<512xf32, #tpu.memory_space<vmem>>) target(%dma_start3A_641 : memref<512xf32, #tpu.memory_space<vmem_shared>>) target_semaphore(%arg19 : memref<!tpu.dma_semaphore, #tpu.memory_space<semaphore_mem>>)
    }
    %scan3A_237 = arith.constant 32 : i32
    %mul3A_238 = arith.constant 8 : i32
    %mul3A_239 = arith.muli %arg0, %mul3A_238 : i32
    %add3A_240 = arith.constant 2 : i32
    %add3A_241 = arith.addi %mul3A_239, %add3A_240 : i32
    %mul3A_242 = arith.constant 512 : i32
    %mul3A_243 = arith.muli %add3A_241, %mul3A_242 : i32
    %mul3A_244 = arith.constant 64 : i32
    %mul3A_245 = arith.muli %arg1, %mul3A_244 : i32
    %add3A_246 = arith.addi %mul3A_243, %mul3A_245 : i32
    %add3A_247 = arith.constant 32 : i32
    %add3A_248 = arith.addi %add3A_246, %add3A_247 : i32
    %multiple_of3A_249 = tpu.assume_multiple %add3A_248, 8 : i32
    %dma_wait3A_250 = arith.constant 0 : i32
    %dma_wait3A_251 = tpu.memref_slice %arg2[%multiple_of3A_249, %dma_wait3A_250] : memref<8192x512xf32, #tpu.memory_space<hbm>> -> memref<32x512xf32, #tpu.memory_space<hbm>>
    %dma_wait3A_252 = arith.constant 0 : i32
    %dma_wait3A_253 = tpu.memref_slice %arg2[%multiple_of3A_249, %dma_wait3A_252] : memref<8192x512xf32, #tpu.memory_space<hbm>> -> memref<32x512xf32, #tpu.memory_space<hbm>>
    tpu.wait_dma2 semaphore(%arg18 : memref<!tpu.dma_semaphore, #tpu.memory_space<semaphore_mem>>) src(%dma_wait3A_253 : memref<32x512xf32, #tpu.memory_space<hbm>>) dst(%arg9 : memref<32x512xf32, #tpu.memory_space<vmem>>)
    %mul3A_254 = arith.constant 64 : i32
    %mul3A_255 = arith.muli %arg1, %mul3A_254 : i32
    %add3A_256 = arith.constant 32 : i32
    %add3A_257 = arith.addi %mul3A_255, %add3A_256 : i32
    %scan3A_258 = arith.constant 0 : i32
    %scan3A_259 = arith.constant 0 : i32
    %scan3A_260 = arith.constant 32 : i32
    %scan3A_261 = arith.addi %scan3A_259, %scan3A_260 : i32
    %scan3A_262 = arith.constant 1 : i32
    scf.for %scan3A_633 = %scan3A_259 to %scan3A_261 step %scan3A_262  : i32 {
      %add3A_634 = arith.addi %add3A_257, %scan3A_633 : i32
      %mul3A_635 = arith.constant 512 : i32
      %mul3A_636 = arith.muli %add3A_634, %mul3A_635 : i32
      %dma_start3A_637 = arith.constant 0 : i32
      %dma_start3A_638 = tpu.memref_slice %arg9[%scan3A_633, %dma_start3A_637] : memref<32x512xf32, #tpu.memory_space<vmem>> -> memref<1x512xf32, #tpu.memory_space<vmem>>
      %dma_start3A_639 = tpu.memref_squeeze %dma_start3A_638 : memref<1x512xf32, #tpu.memory_space<vmem>> -> memref<512xf32, #tpu.memory_space<vmem>>
      %dma_start3A_640 = tpu.memref_slice %arg7[%mul3A_636] : memref<524288xf32, #tpu.memory_space<vmem_shared>> -> memref<512xf32, #tpu.memory_space<vmem_shared>>
      %dma_start3A_641 = tpu.memref_slice %arg7[%mul3A_636] : memref<524288xf32, #tpu.memory_space<vmem_shared>> -> memref<512xf32, #tpu.memory_space<vmem_shared>>
      %dma_start3A_642 = arith.constant 0 : i32
      %dma_start3A_643 = tpu.memref_slice %arg9[%scan3A_633, %dma_start3A_642] : memref<32x512xf32, #tpu.memory_space<vmem>> -> memref<1x512xf32, #tpu.memory_space<vmem>>
      %dma_start3A_644 = tpu.memref_squeeze %dma_start3A_643 : memref<1x512xf32, #tpu.memory_space<vmem>> -> memref<512xf32, #tpu.memory_space<vmem>>
      tpu.enqueue_dma source(%dma_start3A_644 : memref<512xf32, #tpu.memory_space<vmem>>) target(%dma_start3A_641 : memref<512xf32, #tpu.memory_space<vmem_shared>>) target_semaphore(%arg19 : memref<!tpu.dma_semaphore, #tpu.memory_space<semaphore_mem>>)
    }
    %scan3A_263 = arith.constant 32 : i32
    %dma_wait3A_264 = arith.constant 0 : i32
    %dma_wait3A_265 = arith.constant 0 : i32
    %dma_wait3A_266 = tpu.memref_slice %arg2[%dma_wait3A_264, %dma_wait3A_265] : memref<8192x512xf32, #tpu.memory_space<hbm>> -> memref<32x512xf32, #tpu.memory_space<hbm>>
    %dma_wait3A_267 = arith.constant 0 : i32
    %dma_wait3A_268 = arith.constant 0 : i32
    %dma_wait3A_269 = tpu.memref_slice %arg2[%dma_wait3A_267, %dma_wait3A_268] : memref<8192x512xf32, #tpu.memory_space<hbm>> -> memref<32x512xf32, #tpu.memory_space<hbm>>
    tpu.wait_dma2 semaphore(%arg19 : memref<!tpu.dma_semaphore, #tpu.memory_space<semaphore_mem>>) src(%dma_wait3A_269 : memref<32x512xf32, #tpu.memory_space<hbm>>) dst(%arg8 : memref<32x512xf32, #tpu.memory_space<vmem>>)
    %dma_wait3A_270 = arith.constant 0 : i32
    %dma_wait3A_271 = arith.constant 0 : i32
    %dma_wait3A_272 = tpu.memref_slice %arg2[%dma_wait3A_270, %dma_wait3A_271] : memref<8192x512xf32, #tpu.memory_space<hbm>> -> memref<32x512xf32, #tpu.memory_space<hbm>>
    %dma_wait3A_273 = arith.constant 0 : i32
    %dma_wait3A_274 = arith.constant 0 : i32
    %dma_wait3A_275 = tpu.memref_slice %arg2[%dma_wait3A_273, %dma_wait3A_274] : memref<8192x512xf32, #tpu.memory_space<hbm>> -> memref<32x512xf32, #tpu.memory_space<hbm>>
    tpu.wait_dma2 semaphore(%arg19 : memref<!tpu.dma_semaphore, #tpu.memory_space<semaphore_mem>>) src(%dma_wait3A_275 : memref<32x512xf32, #tpu.memory_space<hbm>>) dst(%arg9 : memref<32x512xf32, #tpu.memory_space<vmem>>)
    %mul3A_276 = arith.constant 8 : i32
    %mul3A_277 = arith.muli %arg0, %mul3A_276 : i32
    %add3A_278 = arith.constant 4 : i32
    %add3A_279 = arith.addi %mul3A_277, %add3A_278 : i32
    %mul3A_280 = arith.constant 512 : i32
    %mul3A_281 = arith.muli %add3A_279, %mul3A_280 : i32
    %mul3A_282 = arith.constant 64 : i32
    %mul3A_283 = arith.muli %arg1, %mul3A_282 : i32
    %add3A_284 = arith.addi %mul3A_281, %mul3A_283 : i32
    %add3A_285 = arith.constant 0 : i32
    %add3A_286 = arith.addi %add3A_284, %add3A_285 : i32
    %multiple_of3A_287 = tpu.assume_multiple %add3A_286, 8 : i32
    %dma_start3A_288 = arith.constant 0 : i32
    %dma_start3A_289 = tpu.memref_slice %arg2[%multiple_of3A_287, %dma_start3A_288] : memref<8192x512xf32, #tpu.memory_space<hbm>> -> memref<32x512xf32, #tpu.memory_space<hbm>>
    %dma_start3A_290 = arith.constant 0 : i32
    %dma_start3A_291 = tpu.memref_slice %arg2[%multiple_of3A_287, %dma_start3A_290] : memref<8192x512xf32, #tpu.memory_space<hbm>> -> memref<32x512xf32, #tpu.memory_space<hbm>>
    tpu.enqueue_dma source(%dma_start3A_291 : memref<32x512xf32, #tpu.memory_space<hbm>>) target(%arg8 : memref<32x512xf32, #tpu.memory_space<vmem>>) target_semaphore(%arg18 : memref<!tpu.dma_semaphore, #tpu.memory_space<semaphore_mem>>)
    %mul3A_292 = arith.constant 8 : i32
    %mul3A_293 = arith.muli %arg0, %mul3A_292 : i32
    %add3A_294 = arith.constant 4 : i32
    %add3A_295 = arith.addi %mul3A_293, %add3A_294 : i32
    %mul3A_296 = arith.constant 512 : i32
    %mul3A_297 = arith.muli %add3A_295, %mul3A_296 : i32
    %mul3A_298 = arith.constant 64 : i32
    %mul3A_299 = arith.muli %arg1, %mul3A_298 : i32
    %add3A_300 = arith.addi %mul3A_297, %mul3A_299 : i32
    %add3A_301 = arith.constant 32 : i32
    %add3A_302 = arith.addi %add3A_300, %add3A_301 : i32
    %multiple_of3A_303 = tpu.assume_multiple %add3A_302, 8 : i32
    %dma_start3A_304 = arith.constant 0 : i32
    %dma_start3A_305 = tpu.memref_slice %arg2[%multiple_of3A_303, %dma_start3A_304] : memref<8192x512xf32, #tpu.memory_space<hbm>> -> memref<32x512xf32, #tpu.memory_space<hbm>>
    %dma_start3A_306 = arith.constant 0 : i32
    %dma_start3A_307 = tpu.memref_slice %arg2[%multiple_of3A_303, %dma_start3A_306] : memref<8192x512xf32, #tpu.memory_space<hbm>> -> memref<32x512xf32, #tpu.memory_space<hbm>>
    tpu.enqueue_dma source(%dma_start3A_307 : memref<32x512xf32, #tpu.memory_space<hbm>>) target(%arg9 : memref<32x512xf32, #tpu.memory_space<vmem>>) target_semaphore(%arg18 : memref<!tpu.dma_semaphore, #tpu.memory_space<semaphore_mem>>)
    %barrier3A_308 = arith.constant 0 : index
    tpu.barrier barrier_id(%barrier3A_308)
    %dma_start3A_309 = arith.constant 0 : i32
    %dma_start3A_310 = arith.constant 0 : i32
    %dma_start3A_311 = arith.constant 0 : i32
    %dma_start3A_312 = tpu.memref_slice %arg14[%dma_start3A_310, %dma_start3A_311] : memref<2x128xf32, #tpu.memory_space<vmem>> -> memref<1x128xf32, #tpu.memory_space<vmem>>
    %dma_start3A_313 = tpu.memref_squeeze %dma_start3A_312 : memref<1x128xf32, #tpu.memory_space<vmem>> -> memref<128xf32, #tpu.memory_space<vmem>>
    %dma_start3A_314 = arith.constant 0 : i32
    %dma_start3A_315 = tpu.memref_slice %arg13[%dma_start3A_309, %dma_start3A_314] : memref<2x128xi32, #tpu.memory_space<vmem>> -> memref<1x128xi32, #tpu.memory_space<vmem>>
    %dma_start3A_316 = tpu.memref_squeeze %dma_start3A_315 : memref<1x128xi32, #tpu.memory_space<vmem>> -> memref<128xi32, #tpu.memory_space<vmem>>
    %dma_start3A_317 = arith.constant 0 : i32
    %dma_start3A_318 = tpu.memref_slice %arg7[%dma_start3A_317] : memref<524288xf32, #tpu.memory_space<vmem_shared>> -> memref<524288xf32, #tpu.memory_space<vmem_shared>>
    tpu.enqueue_indirect_dma source(%dma_start3A_318 : memref<524288xf32, #tpu.memory_space<vmem_shared>>) target(%dma_start3A_313 : memref<128xf32, #tpu.memory_space<vmem>>) offsets(%dma_start3A_316 : memref<128xi32, #tpu.memory_space<vmem>>) semaphore(%arg20 : memref<!tpu.dma_semaphore, #tpu.memory_space<semaphore_mem>>)
    %dma_start3A_319 = arith.constant 1 : i32
    %dma_start3A_320 = arith.constant 1 : i32
    %dma_start3A_321 = arith.constant 0 : i32
    %dma_start3A_322 = tpu.memref_slice %arg14[%dma_start3A_320, %dma_start3A_321] : memref<2x128xf32, #tpu.memory_space<vmem>> -> memref<1x128xf32, #tpu.memory_space<vmem>>
    %dma_start3A_323 = tpu.memref_squeeze %dma_start3A_322 : memref<1x128xf32, #tpu.memory_space<vmem>> -> memref<128xf32, #tpu.memory_space<vmem>>
    %dma_start3A_324 = arith.constant 0 : i32
    %dma_start3A_325 = tpu.memref_slice %arg13[%dma_start3A_319, %dma_start3A_324] : memref<2x128xi32, #tpu.memory_space<vmem>> -> memref<1x128xi32, #tpu.memory_space<vmem>>
    %dma_start3A_326 = tpu.memref_squeeze %dma_start3A_325 : memref<1x128xi32, #tpu.memory_space<vmem>> -> memref<128xi32, #tpu.memory_space<vmem>>
    %dma_start3A_327 = arith.constant 0 : i32
    %dma_start3A_328 = tpu.memref_slice %arg7[%dma_start3A_327] : memref<524288xf32, #tpu.memory_space<vmem_shared>> -> memref<524288xf32, #tpu.memory_space<vmem_shared>>
    tpu.enqueue_indirect_dma source(%dma_start3A_328 : memref<524288xf32, #tpu.memory_space<vmem_shared>>) target(%dma_start3A_323 : memref<128xf32, #tpu.memory_space<vmem>>) offsets(%dma_start3A_326 : memref<128xi32, #tpu.memory_space<vmem>>) semaphore(%arg20 : memref<!tpu.dma_semaphore, #tpu.memory_space<semaphore_mem>>)
    %dma_wait3A_329 = arith.constant 0 : i32
    %dma_wait3A_330 = arith.constant 0 : i32
    %dma_wait3A_331 = arith.constant 0 : i32
    %dma_wait3A_332 = tpu.memref_slice %arg14[%dma_wait3A_330, %dma_wait3A_331] : memref<2x128xf32, #tpu.memory_space<vmem>> -> memref<1x128xf32, #tpu.memory_space<vmem>>
    %dma_wait3A_333 = tpu.memref_squeeze %dma_wait3A_332 : memref<1x128xf32, #tpu.memory_space<vmem>> -> memref<128xf32, #tpu.memory_space<vmem>>
    %dma_wait3A_334 = arith.constant 0 : i32
    %dma_wait3A_335 = tpu.memref_slice %arg13[%dma_wait3A_329, %dma_wait3A_334] : memref<2x128xi32, #tpu.memory_space<vmem>> -> memref<1x128xi32, #tpu.memory_space<vmem>>
    %dma_wait3A_336 = tpu.memref_squeeze %dma_wait3A_335 : memref<1x128xi32, #tpu.memory_space<vmem>> -> memref<128xi32, #tpu.memory_space<vmem>>
    %dma_wait3A_337 = arith.constant 0 : i32
    %dma_wait3A_338 = tpu.memref_slice %arg7[%dma_wait3A_337] : memref<524288xf32, #tpu.memory_space<vmem_shared>> -> memref<524288xf32, #tpu.memory_space<vmem_shared>>
    tpu.wait_indirect_dma semaphore(%arg20 : memref<!tpu.dma_semaphore, #tpu.memory_space<semaphore_mem>>) src(%dma_wait3A_338 : memref<524288xf32, #tpu.memory_space<vmem_shared>>) dst(%dma_wait3A_333 : memref<128xf32, #tpu.memory_space<vmem>>)
    %dma_wait3A_339 = arith.constant 1 : i32
    %dma_wait3A_340 = arith.constant 1 : i32
    %dma_wait3A_341 = arith.constant 0 : i32
    %dma_wait3A_342 = tpu.memref_slice %arg14[%dma_wait3A_340, %dma_wait3A_341] : memref<2x128xf32, #tpu.memory_space<vmem>> -> memref<1x128xf32, #tpu.memory_space<vmem>>
    %dma_wait3A_343 = tpu.memref_squeeze %dma_wait3A_342 : memref<1x128xf32, #tpu.memory_space<vmem>> -> memref<128xf32, #tpu.memory_space<vmem>>
    %dma_wait3A_344 = arith.constant 0 : i32
    %dma_wait3A_345 = tpu.memref_slice %arg13[%dma_wait3A_339, %dma_wait3A_344] : memref<2x128xi32, #tpu.memory_space<vmem>> -> memref<1x128xi32, #tpu.memory_space<vmem>>
    %dma_wait3A_346 = tpu.memref_squeeze %dma_wait3A_345 : memref<1x128xi32, #tpu.memory_space<vmem>> -> memref<128xi32, #tpu.memory_space<vmem>>
    %dma_wait3A_347 = arith.constant 0 : i32
    %dma_wait3A_348 = tpu.memref_slice %arg7[%dma_wait3A_347] : memref<524288xf32, #tpu.memory_space<vmem_shared>> -> memref<524288xf32, #tpu.memory_space<vmem_shared>>
    tpu.wait_indirect_dma semaphore(%arg20 : memref<!tpu.dma_semaphore, #tpu.memory_space<semaphore_mem>>) src(%dma_wait3A_348 : memref<524288xf32, #tpu.memory_space<vmem_shared>>) dst(%dma_wait3A_343 : memref<128xf32, #tpu.memory_space<vmem>>)
    %scan3A_349 = arith.constant 0 : i32
    %scan3A_350 = arith.constant 8 : i32
    %scan3A_351 = arith.addi %scan3A_349, %scan3A_350 : i32
    %scan3A_352 = arith.constant 1 : i32
    %scan3A_353 = scf.for %scan3A_633 = %scan3A_349 to %scan3A_351 step %scan3A_352 iter_args(%scan3A_634 = %scan3A_209) -> (vector<16xf32>)  : i32 {
      %mul3A_635 = arith.constant 16 : i32
      %mul3A_636 = arith.muli %scan3A_633, %mul3A_635 : i32
      %get3A = arith.constant 0 : i32
      %get3A_637 = arith.index_cast %get3A : i32 to index
      %get3A_638 = arith.index_cast %mul3A_636 : i32 to index
      %get3A_639 = tpu.vector_load %arg14[%get3A_637, %get3A_638] {strides = array<i32>} : memref<2x128xf32, #tpu.memory_space<vmem>>, vector<1x16xf32>,
      %get3A_640 = vector.shape_cast %get3A_639 : vector<1x16xf32> to vector<16xf32>
      %add3A_641 = arith.constant 256 : i32
      %add3A_642 = arith.addi %add3A_641, %mul3A_636 : i32
      %get3A_643 = arith.index_cast %add3A_642 : i32 to index
      %get3A_644 = tpu.vector_load %arg15[%get3A_643] {strides = array<i32>} : memref<1024xf32, #tpu.memory_space<vmem>>, vector<16xf32>,
      %get3A_645 = vector.shape_cast %get3A_644 : vector<16xf32> to vector<16xf32>
      %sub3A = arith.subf %get3A_640, %get3A_645 : vector<16xf32>
      %abs3A = math.absf %sub3A : vector<16xf32>
      %get3A_646 = arith.index_cast %mul3A_636 : i32 to index
      %get3A_647 = tpu.vector_load %arg16[%get3A_646] {strides = array<i32>} : memref<128xf32, #tpu.memory_space<vmem>>, vector<16xf32>,
      %get3A_648 = vector.shape_cast %get3A_647 : vector<16xf32> to vector<16xf32>
      %mul3A_649 = arith.mulf %abs3A, %get3A_648 : vector<16xf32>
      %add3A_650 = arith.addf %scan3A_634, %mul3A_649 : vector<16xf32>
      scf.yield %add3A_650 : vector<16xf32>
    }
    %scan3A_354 = arith.constant 8 : i32
    %scan3A_355 = arith.constant 0 : i32
    %scan3A_356 = arith.constant 8 : i32
    %scan3A_357 = arith.addi %scan3A_355, %scan3A_356 : i32
    %scan3A_358 = arith.constant 1 : i32
    %scan3A_359 = scf.for %scan3A_633 = %scan3A_355 to %scan3A_357 step %scan3A_358 iter_args(%scan3A_634 = %scan3A_353) -> (vector<16xf32>)  : i32 {
      %mul3A_635 = arith.constant 16 : i32
      %mul3A_636 = arith.muli %scan3A_633, %mul3A_635 : i32
      %get3A = arith.constant 1 : i32
      %get3A_637 = arith.index_cast %get3A : i32 to index
      %get3A_638 = arith.index_cast %mul3A_636 : i32 to index
      %get3A_639 = tpu.vector_load %arg14[%get3A_637, %get3A_638] {strides = array<i32>} : memref<2x128xf32, #tpu.memory_space<vmem>>, vector<1x16xf32>,
      %get3A_640 = vector.shape_cast %get3A_639 : vector<1x16xf32> to vector<16xf32>
      %add3A_641 = arith.constant 384 : i32
      %add3A_642 = arith.addi %add3A_641, %mul3A_636 : i32
      %get3A_643 = arith.index_cast %add3A_642 : i32 to index
      %get3A_644 = tpu.vector_load %arg15[%get3A_643] {strides = array<i32>} : memref<1024xf32, #tpu.memory_space<vmem>>, vector<16xf32>,
      %get3A_645 = vector.shape_cast %get3A_644 : vector<16xf32> to vector<16xf32>
      %sub3A = arith.subf %get3A_640, %get3A_645 : vector<16xf32>
      %abs3A = math.absf %sub3A : vector<16xf32>
      %get3A_646 = arith.index_cast %mul3A_636 : i32 to index
      %get3A_647 = tpu.vector_load %arg16[%get3A_646] {strides = array<i32>} : memref<128xf32, #tpu.memory_space<vmem>>, vector<16xf32>,
      %get3A_648 = vector.shape_cast %get3A_647 : vector<16xf32> to vector<16xf32>
      %mul3A_649 = arith.mulf %abs3A, %get3A_648 : vector<16xf32>
      %add3A_650 = arith.addf %scan3A_634, %mul3A_649 : vector<16xf32>
      scf.yield %add3A_650 : vector<16xf32>
    }
    %scan3A_360 = arith.constant 8 : i32
    %barrier3A_361 = arith.constant 0 : index
    tpu.barrier barrier_id(%barrier3A_361)
    %mul3A_362 = arith.constant 8 : i32
    %mul3A_363 = arith.muli %arg0, %mul3A_362 : i32
    %add3A_364 = arith.constant 4 : i32
    %add3A_365 = arith.addi %mul3A_363, %add3A_364 : i32
    %mul3A_366 = arith.constant 512 : i32
    %mul3A_367 = arith.muli %add3A_365, %mul3A_366 : i32
    %mul3A_368 = arith.constant 64 : i32
    %mul3A_369 = arith.muli %arg1, %mul3A_368 : i32
    %add3A_370 = arith.addi %mul3A_367, %mul3A_369 : i32
    %add3A_371 = arith.constant 0 : i32
    %add3A_372 = arith.addi %add3A_370, %add3A_371 : i32
    %multiple_of3A_373 = tpu.assume_multiple %add3A_372, 8 : i32
    %dma_wait3A_374 = arith.constant 0 : i32
    %dma_wait3A_375 = tpu.memref_slice %arg2[%multiple_of3A_373, %dma_wait3A_374] : memref<8192x512xf32, #tpu.memory_space<hbm>> -> memref<32x512xf32, #tpu.memory_space<hbm>>
    %dma_wait3A_376 = arith.constant 0 : i32
    %dma_wait3A_377 = tpu.memref_slice %arg2[%multiple_of3A_373, %dma_wait3A_376] : memref<8192x512xf32, #tpu.memory_space<hbm>> -> memref<32x512xf32, #tpu.memory_space<hbm>>
    tpu.wait_dma2 semaphore(%arg18 : memref<!tpu.dma_semaphore, #tpu.memory_space<semaphore_mem>>) src(%dma_wait3A_377 : memref<32x512xf32, #tpu.memory_space<hbm>>) dst(%arg8 : memref<32x512xf32, #tpu.memory_space<vmem>>)
    %mul3A_378 = arith.constant 64 : i32
    %mul3A_379 = arith.muli %arg1, %mul3A_378 : i32
    %add3A_380 = arith.constant 0 : i32
    %add3A_381 = arith.addi %mul3A_379, %add3A_380 : i32
    %scan3A_382 = arith.constant 0 : i32
    %scan3A_383 = arith.constant 0 : i32
    %scan3A_384 = arith.constant 32 : i32
    %scan3A_385 = arith.addi %scan3A_383, %scan3A_384 : i32
    %scan3A_386 = arith.constant 1 : i32
    scf.for %scan3A_633 = %scan3A_383 to %scan3A_385 step %scan3A_386  : i32 {
      %add3A_634 = arith.addi %add3A_381, %scan3A_633 : i32
      %mul3A_635 = arith.constant 512 : i32
      %mul3A_636 = arith.muli %add3A_634, %mul3A_635 : i32
      %dma_start3A_637 = arith.constant 0 : i32
      %dma_start3A_638 = tpu.memref_slice %arg8[%scan3A_633, %dma_start3A_637] : memref<32x512xf32, #tpu.memory_space<vmem>> -> memref<1x512xf32, #tpu.memory_space<vmem>>
      %dma_start3A_639 = tpu.memref_squeeze %dma_start3A_638 : memref<1x512xf32, #tpu.memory_space<vmem>> -> memref<512xf32, #tpu.memory_space<vmem>>
      %dma_start3A_640 = tpu.memref_slice %arg7[%mul3A_636] : memref<524288xf32, #tpu.memory_space<vmem_shared>> -> memref<512xf32, #tpu.memory_space<vmem_shared>>
      %dma_start3A_641 = tpu.memref_slice %arg7[%mul3A_636] : memref<524288xf32, #tpu.memory_space<vmem_shared>> -> memref<512xf32, #tpu.memory_space<vmem_shared>>
      %dma_start3A_642 = arith.constant 0 : i32
      %dma_start3A_643 = tpu.memref_slice %arg8[%scan3A_633, %dma_start3A_642] : memref<32x512xf32, #tpu.memory_space<vmem>> -> memref<1x512xf32, #tpu.memory_space<vmem>>
      %dma_start3A_644 = tpu.memref_squeeze %dma_start3A_643 : memref<1x512xf32, #tpu.memory_space<vmem>> -> memref<512xf32, #tpu.memory_space<vmem>>
      tpu.enqueue_dma source(%dma_start3A_644 : memref<512xf32, #tpu.memory_space<vmem>>) target(%dma_start3A_641 : memref<512xf32, #tpu.memory_space<vmem_shared>>) target_semaphore(%arg19 : memref<!tpu.dma_semaphore, #tpu.memory_space<semaphore_mem>>)
    }
    %scan3A_387 = arith.constant 32 : i32
    %mul3A_388 = arith.constant 8 : i32
    %mul3A_389 = arith.muli %arg0, %mul3A_388 : i32
    %add3A_390 = arith.constant 4 : i32
    %add3A_391 = arith.addi %mul3A_389, %add3A_390 : i32
    %mul3A_392 = arith.constant 512 : i32
    %mul3A_393 = arith.muli %add3A_391, %mul3A_392 : i32
    %mul3A_394 = arith.constant 64 : i32
    %mul3A_395 = arith.muli %arg1, %mul3A_394 : i32
    %add3A_396 = arith.addi %mul3A_393, %mul3A_395 : i32
    %add3A_397 = arith.constant 32 : i32
    %add3A_398 = arith.addi %add3A_396, %add3A_397 : i32
    %multiple_of3A_399 = tpu.assume_multiple %add3A_398, 8 : i32
    %dma_wait3A_400 = arith.constant 0 : i32
    %dma_wait3A_401 = tpu.memref_slice %arg2[%multiple_of3A_399, %dma_wait3A_400] : memref<8192x512xf32, #tpu.memory_space<hbm>> -> memref<32x512xf32, #tpu.memory_space<hbm>>
    %dma_wait3A_402 = arith.constant 0 : i32
    %dma_wait3A_403 = tpu.memref_slice %arg2[%multiple_of3A_399, %dma_wait3A_402] : memref<8192x512xf32, #tpu.memory_space<hbm>> -> memref<32x512xf32, #tpu.memory_space<hbm>>
    tpu.wait_dma2 semaphore(%arg18 : memref<!tpu.dma_semaphore, #tpu.memory_space<semaphore_mem>>) src(%dma_wait3A_403 : memref<32x512xf32, #tpu.memory_space<hbm>>) dst(%arg9 : memref<32x512xf32, #tpu.memory_space<vmem>>)
    %mul3A_404 = arith.constant 64 : i32
    %mul3A_405 = arith.muli %arg1, %mul3A_404 : i32
    %add3A_406 = arith.constant 32 : i32
    %add3A_407 = arith.addi %mul3A_405, %add3A_406 : i32
    %scan3A_408 = arith.constant 0 : i32
    %scan3A_409 = arith.constant 0 : i32
    %scan3A_410 = arith.constant 32 : i32
    %scan3A_411 = arith.addi %scan3A_409, %scan3A_410 : i32
    %scan3A_412 = arith.constant 1 : i32
    scf.for %scan3A_633 = %scan3A_409 to %scan3A_411 step %scan3A_412  : i32 {
      %add3A_634 = arith.addi %add3A_407, %scan3A_633 : i32
      %mul3A_635 = arith.constant 512 : i32
      %mul3A_636 = arith.muli %add3A_634, %mul3A_635 : i32
      %dma_start3A_637 = arith.constant 0 : i32
      %dma_start3A_638 = tpu.memref_slice %arg9[%scan3A_633, %dma_start3A_637] : memref<32x512xf32, #tpu.memory_space<vmem>> -> memref<1x512xf32, #tpu.memory_space<vmem>>
      %dma_start3A_639 = tpu.memref_squeeze %dma_start3A_638 : memref<1x512xf32, #tpu.memory_space<vmem>> -> memref<512xf32, #tpu.memory_space<vmem>>
      %dma_start3A_640 = tpu.memref_slice %arg7[%mul3A_636] : memref<524288xf32, #tpu.memory_space<vmem_shared>> -> memref<512xf32, #tpu.memory_space<vmem_shared>>
      %dma_start3A_641 = tpu.memref_slice %arg7[%mul3A_636] : memref<524288xf32, #tpu.memory_space<vmem_shared>> -> memref<512xf32, #tpu.memory_space<vmem_shared>>
      %dma_start3A_642 = arith.constant 0 : i32
      %dma_start3A_643 = tpu.memref_slice %arg9[%scan3A_633, %dma_start3A_642] : memref<32x512xf32, #tpu.memory_space<vmem>> -> memref<1x512xf32, #tpu.memory_space<vmem>>
      %dma_start3A_644 = tpu.memref_squeeze %dma_start3A_643 : memref<1x512xf32, #tpu.memory_space<vmem>> -> memref<512xf32, #tpu.memory_space<vmem>>
      tpu.enqueue_dma source(%dma_start3A_644 : memref<512xf32, #tpu.memory_space<vmem>>) target(%dma_start3A_641 : memref<512xf32, #tpu.memory_space<vmem_shared>>) target_semaphore(%arg19 : memref<!tpu.dma_semaphore, #tpu.memory_space<semaphore_mem>>)
    }
    %scan3A_413 = arith.constant 32 : i32
    %dma_wait3A_414 = arith.constant 0 : i32
    %dma_wait3A_415 = arith.constant 0 : i32
    %dma_wait3A_416 = tpu.memref_slice %arg2[%dma_wait3A_414, %dma_wait3A_415] : memref<8192x512xf32, #tpu.memory_space<hbm>> -> memref<32x512xf32, #tpu.memory_space<hbm>>
    %dma_wait3A_417 = arith.constant 0 : i32
    %dma_wait3A_418 = arith.constant 0 : i32
    %dma_wait3A_419 = tpu.memref_slice %arg2[%dma_wait3A_417, %dma_wait3A_418] : memref<8192x512xf32, #tpu.memory_space<hbm>> -> memref<32x512xf32, #tpu.memory_space<hbm>>
    tpu.wait_dma2 semaphore(%arg19 : memref<!tpu.dma_semaphore, #tpu.memory_space<semaphore_mem>>) src(%dma_wait3A_419 : memref<32x512xf32, #tpu.memory_space<hbm>>) dst(%arg8 : memref<32x512xf32, #tpu.memory_space<vmem>>)
    %dma_wait3A_420 = arith.constant 0 : i32
    %dma_wait3A_421 = arith.constant 0 : i32
    %dma_wait3A_422 = tpu.memref_slice %arg2[%dma_wait3A_420, %dma_wait3A_421] : memref<8192x512xf32, #tpu.memory_space<hbm>> -> memref<32x512xf32, #tpu.memory_space<hbm>>
    %dma_wait3A_423 = arith.constant 0 : i32
    %dma_wait3A_424 = arith.constant 0 : i32
    %dma_wait3A_425 = tpu.memref_slice %arg2[%dma_wait3A_423, %dma_wait3A_424] : memref<8192x512xf32, #tpu.memory_space<hbm>> -> memref<32x512xf32, #tpu.memory_space<hbm>>
    tpu.wait_dma2 semaphore(%arg19 : memref<!tpu.dma_semaphore, #tpu.memory_space<semaphore_mem>>) src(%dma_wait3A_425 : memref<32x512xf32, #tpu.memory_space<hbm>>) dst(%arg9 : memref<32x512xf32, #tpu.memory_space<vmem>>)
    %mul3A_426 = arith.constant 8 : i32
    %mul3A_427 = arith.muli %arg0, %mul3A_426 : i32
    %add3A_428 = arith.constant 6 : i32
    %add3A_429 = arith.addi %mul3A_427, %add3A_428 : i32
    %mul3A_430 = arith.constant 512 : i32
    %mul3A_431 = arith.muli %add3A_429, %mul3A_430 : i32
    %mul3A_432 = arith.constant 64 : i32
    %mul3A_433 = arith.muli %arg1, %mul3A_432 : i32
    %add3A_434 = arith.addi %mul3A_431, %mul3A_433 : i32
    %add3A_435 = arith.constant 0 : i32
    %add3A_436 = arith.addi %add3A_434, %add3A_435 : i32
    %multiple_of3A_437 = tpu.assume_multiple %add3A_436, 8 : i32
    %dma_start3A_438 = arith.constant 0 : i32
    %dma_start3A_439 = tpu.memref_slice %arg2[%multiple_of3A_437, %dma_start3A_438] : memref<8192x512xf32, #tpu.memory_space<hbm>> -> memref<32x512xf32, #tpu.memory_space<hbm>>
    %dma_start3A_440 = arith.constant 0 : i32
    %dma_start3A_441 = tpu.memref_slice %arg2[%multiple_of3A_437, %dma_start3A_440] : memref<8192x512xf32, #tpu.memory_space<hbm>> -> memref<32x512xf32, #tpu.memory_space<hbm>>
    tpu.enqueue_dma source(%dma_start3A_441 : memref<32x512xf32, #tpu.memory_space<hbm>>) target(%arg8 : memref<32x512xf32, #tpu.memory_space<vmem>>) target_semaphore(%arg18 : memref<!tpu.dma_semaphore, #tpu.memory_space<semaphore_mem>>)
    %mul3A_442 = arith.constant 8 : i32
    %mul3A_443 = arith.muli %arg0, %mul3A_442 : i32
    %add3A_444 = arith.constant 6 : i32
    %add3A_445 = arith.addi %mul3A_443, %add3A_444 : i32
    %mul3A_446 = arith.constant 512 : i32
    %mul3A_447 = arith.muli %add3A_445, %mul3A_446 : i32
    %mul3A_448 = arith.constant 64 : i32
    %mul3A_449 = arith.muli %arg1, %mul3A_448 : i32
    %add3A_450 = arith.addi %mul3A_447, %mul3A_449 : i32
    %add3A_451 = arith.constant 32 : i32
    %add3A_452 = arith.addi %add3A_450, %add3A_451 : i32
    %multiple_of3A_453 = tpu.assume_multiple %add3A_452, 8 : i32
    %dma_start3A_454 = arith.constant 0 : i32
    %dma_start3A_455 = tpu.memref_slice %arg2[%multiple_of3A_453, %dma_start3A_454] : memref<8192x512xf32, #tpu.memory_space<hbm>> -> memref<32x512xf32, #tpu.memory_space<hbm>>
    %dma_start3A_456 = arith.constant 0 : i32
    %dma_start3A_457 = tpu.memref_slice %arg2[%multiple_of3A_453, %dma_start3A_456] : memref<8192x512xf32, #tpu.memory_space<hbm>> -> memref<32x512xf32, #tpu.memory_space<hbm>>
    tpu.enqueue_dma source(%dma_start3A_457 : memref<32x512xf32, #tpu.memory_space<hbm>>) target(%arg9 : memref<32x512xf32, #tpu.memory_space<vmem>>) target_semaphore(%arg18 : memref<!tpu.dma_semaphore, #tpu.memory_space<semaphore_mem>>)
    %barrier3A_458 = arith.constant 0 : index
    tpu.barrier barrier_id(%barrier3A_458)
    %dma_start3A_459 = arith.constant 0 : i32
    %dma_start3A_460 = arith.constant 0 : i32
    %dma_start3A_461 = arith.constant 0 : i32
    %dma_start3A_462 = tpu.memref_slice %arg14[%dma_start3A_460, %dma_start3A_461] : memref<2x128xf32, #tpu.memory_space<vmem>> -> memref<1x128xf32, #tpu.memory_space<vmem>>
    %dma_start3A_463 = tpu.memref_squeeze %dma_start3A_462 : memref<1x128xf32, #tpu.memory_space<vmem>> -> memref<128xf32, #tpu.memory_space<vmem>>
    %dma_start3A_464 = arith.constant 0 : i32
    %dma_start3A_465 = tpu.memref_slice %arg13[%dma_start3A_459, %dma_start3A_464] : memref<2x128xi32, #tpu.memory_space<vmem>> -> memref<1x128xi32, #tpu.memory_space<vmem>>
    %dma_start3A_466 = tpu.memref_squeeze %dma_start3A_465 : memref<1x128xi32, #tpu.memory_space<vmem>> -> memref<128xi32, #tpu.memory_space<vmem>>
    %dma_start3A_467 = arith.constant 0 : i32
    %dma_start3A_468 = tpu.memref_slice %arg7[%dma_start3A_467] : memref<524288xf32, #tpu.memory_space<vmem_shared>> -> memref<524288xf32, #tpu.memory_space<vmem_shared>>
    tpu.enqueue_indirect_dma source(%dma_start3A_468 : memref<524288xf32, #tpu.memory_space<vmem_shared>>) target(%dma_start3A_463 : memref<128xf32, #tpu.memory_space<vmem>>) offsets(%dma_start3A_466 : memref<128xi32, #tpu.memory_space<vmem>>) semaphore(%arg20 : memref<!tpu.dma_semaphore, #tpu.memory_space<semaphore_mem>>)
    %dma_start3A_469 = arith.constant 1 : i32
    %dma_start3A_470 = arith.constant 1 : i32
    %dma_start3A_471 = arith.constant 0 : i32
    %dma_start3A_472 = tpu.memref_slice %arg14[%dma_start3A_470, %dma_start3A_471] : memref<2x128xf32, #tpu.memory_space<vmem>> -> memref<1x128xf32, #tpu.memory_space<vmem>>
    %dma_start3A_473 = tpu.memref_squeeze %dma_start3A_472 : memref<1x128xf32, #tpu.memory_space<vmem>> -> memref<128xf32, #tpu.memory_space<vmem>>
    %dma_start3A_474 = arith.constant 0 : i32
    %dma_start3A_475 = tpu.memref_slice %arg13[%dma_start3A_469, %dma_start3A_474] : memref<2x128xi32, #tpu.memory_space<vmem>> -> memref<1x128xi32, #tpu.memory_space<vmem>>
    %dma_start3A_476 = tpu.memref_squeeze %dma_start3A_475 : memref<1x128xi32, #tpu.memory_space<vmem>> -> memref<128xi32, #tpu.memory_space<vmem>>
    %dma_start3A_477 = arith.constant 0 : i32
    %dma_start3A_478 = tpu.memref_slice %arg7[%dma_start3A_477] : memref<524288xf32, #tpu.memory_space<vmem_shared>> -> memref<524288xf32, #tpu.memory_space<vmem_shared>>
    tpu.enqueue_indirect_dma source(%dma_start3A_478 : memref<524288xf32, #tpu.memory_space<vmem_shared>>) target(%dma_start3A_473 : memref<128xf32, #tpu.memory_space<vmem>>) offsets(%dma_start3A_476 : memref<128xi32, #tpu.memory_space<vmem>>) semaphore(%arg20 : memref<!tpu.dma_semaphore, #tpu.memory_space<semaphore_mem>>)
    %dma_wait3A_479 = arith.constant 0 : i32
    %dma_wait3A_480 = arith.constant 0 : i32
    %dma_wait3A_481 = arith.constant 0 : i32
    %dma_wait3A_482 = tpu.memref_slice %arg14[%dma_wait3A_480, %dma_wait3A_481] : memref<2x128xf32, #tpu.memory_space<vmem>> -> memref<1x128xf32, #tpu.memory_space<vmem>>
    %dma_wait3A_483 = tpu.memref_squeeze %dma_wait3A_482 : memref<1x128xf32, #tpu.memory_space<vmem>> -> memref<128xf32, #tpu.memory_space<vmem>>
    %dma_wait3A_484 = arith.constant 0 : i32
    %dma_wait3A_485 = tpu.memref_slice %arg13[%dma_wait3A_479, %dma_wait3A_484] : memref<2x128xi32, #tpu.memory_space<vmem>> -> memref<1x128xi32, #tpu.memory_space<vmem>>
    %dma_wait3A_486 = tpu.memref_squeeze %dma_wait3A_485 : memref<1x128xi32, #tpu.memory_space<vmem>> -> memref<128xi32, #tpu.memory_space<vmem>>
    %dma_wait3A_487 = arith.constant 0 : i32
    %dma_wait3A_488 = tpu.memref_slice %arg7[%dma_wait3A_487] : memref<524288xf32, #tpu.memory_space<vmem_shared>> -> memref<524288xf32, #tpu.memory_space<vmem_shared>>
    tpu.wait_indirect_dma semaphore(%arg20 : memref<!tpu.dma_semaphore, #tpu.memory_space<semaphore_mem>>) src(%dma_wait3A_488 : memref<524288xf32, #tpu.memory_space<vmem_shared>>) dst(%dma_wait3A_483 : memref<128xf32, #tpu.memory_space<vmem>>)
    %dma_wait3A_489 = arith.constant 1 : i32
    %dma_wait3A_490 = arith.constant 1 : i32
    %dma_wait3A_491 = arith.constant 0 : i32
    %dma_wait3A_492 = tpu.memref_slice %arg14[%dma_wait3A_490, %dma_wait3A_491] : memref<2x128xf32, #tpu.memory_space<vmem>> -> memref<1x128xf32, #tpu.memory_space<vmem>>
    %dma_wait3A_493 = tpu.memref_squeeze %dma_wait3A_492 : memref<1x128xf32, #tpu.memory_space<vmem>> -> memref<128xf32, #tpu.memory_space<vmem>>
    %dma_wait3A_494 = arith.constant 0 : i32
    %dma_wait3A_495 = tpu.memref_slice %arg13[%dma_wait3A_489, %dma_wait3A_494] : memref<2x128xi32, #tpu.memory_space<vmem>> -> memref<1x128xi32, #tpu.memory_space<vmem>>
    %dma_wait3A_496 = tpu.memref_squeeze %dma_wait3A_495 : memref<1x128xi32, #tpu.memory_space<vmem>> -> memref<128xi32, #tpu.memory_space<vmem>>
    %dma_wait3A_497 = arith.constant 0 : i32
    %dma_wait3A_498 = tpu.memref_slice %arg7[%dma_wait3A_497] : memref<524288xf32, #tpu.memory_space<vmem_shared>> -> memref<524288xf32, #tpu.memory_space<vmem_shared>>
    tpu.wait_indirect_dma semaphore(%arg20 : memref<!tpu.dma_semaphore, #tpu.memory_space<semaphore_mem>>) src(%dma_wait3A_498 : memref<524288xf32, #tpu.memory_space<vmem_shared>>) dst(%dma_wait3A_493 : memref<128xf32, #tpu.memory_space<vmem>>)
    %scan3A_499 = arith.constant 0 : i32
    %scan3A_500 = arith.constant 8 : i32
    %scan3A_501 = arith.addi %scan3A_499, %scan3A_500 : i32
    %scan3A_502 = arith.constant 1 : i32
    %scan3A_503 = scf.for %scan3A_633 = %scan3A_499 to %scan3A_501 step %scan3A_502 iter_args(%scan3A_634 = %scan3A_359) -> (vector<16xf32>)  : i32 {
      %mul3A_635 = arith.constant 16 : i32
      %mul3A_636 = arith.muli %scan3A_633, %mul3A_635 : i32
      %get3A = arith.constant 0 : i32
      %get3A_637 = arith.index_cast %get3A : i32 to index
      %get3A_638 = arith.index_cast %mul3A_636 : i32 to index
      %get3A_639 = tpu.vector_load %arg14[%get3A_637, %get3A_638] {strides = array<i32>} : memref<2x128xf32, #tpu.memory_space<vmem>>, vector<1x16xf32>,
      %get3A_640 = vector.shape_cast %get3A_639 : vector<1x16xf32> to vector<16xf32>
      %add3A_641 = arith.constant 512 : i32
      %add3A_642 = arith.addi %add3A_641, %mul3A_636 : i32
      %get3A_643 = arith.index_cast %add3A_642 : i32 to index
      %get3A_644 = tpu.vector_load %arg15[%get3A_643] {strides = array<i32>} : memref<1024xf32, #tpu.memory_space<vmem>>, vector<16xf32>,
      %get3A_645 = vector.shape_cast %get3A_644 : vector<16xf32> to vector<16xf32>
      %sub3A = arith.subf %get3A_640, %get3A_645 : vector<16xf32>
      %abs3A = math.absf %sub3A : vector<16xf32>
      %get3A_646 = arith.index_cast %mul3A_636 : i32 to index
      %get3A_647 = tpu.vector_load %arg16[%get3A_646] {strides = array<i32>} : memref<128xf32, #tpu.memory_space<vmem>>, vector<16xf32>,
      %get3A_648 = vector.shape_cast %get3A_647 : vector<16xf32> to vector<16xf32>
      %mul3A_649 = arith.mulf %abs3A, %get3A_648 : vector<16xf32>
      %add3A_650 = arith.addf %scan3A_634, %mul3A_649 : vector<16xf32>
      scf.yield %add3A_650 : vector<16xf32>
    }
    %scan3A_504 = arith.constant 8 : i32
    %scan3A_505 = arith.constant 0 : i32
    %scan3A_506 = arith.constant 8 : i32
    %scan3A_507 = arith.addi %scan3A_505, %scan3A_506 : i32
    %scan3A_508 = arith.constant 1 : i32
    %scan3A_509 = scf.for %scan3A_633 = %scan3A_505 to %scan3A_507 step %scan3A_508 iter_args(%scan3A_634 = %scan3A_503) -> (vector<16xf32>)  : i32 {
      %mul3A_635 = arith.constant 16 : i32
      %mul3A_636 = arith.muli %scan3A_633, %mul3A_635 : i32
      %get3A = arith.constant 1 : i32
      %get3A_637 = arith.index_cast %get3A : i32 to index
      %get3A_638 = arith.index_cast %mul3A_636 : i32 to index
      %get3A_639 = tpu.vector_load %arg14[%get3A_637, %get3A_638] {strides = array<i32>} : memref<2x128xf32, #tpu.memory_space<vmem>>, vector<1x16xf32>,
      %get3A_640 = vector.shape_cast %get3A_639 : vector<1x16xf32> to vector<16xf32>
      %add3A_641 = arith.constant 640 : i32
      %add3A_642 = arith.addi %add3A_641, %mul3A_636 : i32
      %get3A_643 = arith.index_cast %add3A_642 : i32 to index
      %get3A_644 = tpu.vector_load %arg15[%get3A_643] {strides = array<i32>} : memref<1024xf32, #tpu.memory_space<vmem>>, vector<16xf32>,
      %get3A_645 = vector.shape_cast %get3A_644 : vector<16xf32> to vector<16xf32>
      %sub3A = arith.subf %get3A_640, %get3A_645 : vector<16xf32>
      %abs3A = math.absf %sub3A : vector<16xf32>
      %get3A_646 = arith.index_cast %mul3A_636 : i32 to index
      %get3A_647 = tpu.vector_load %arg16[%get3A_646] {strides = array<i32>} : memref<128xf32, #tpu.memory_space<vmem>>, vector<16xf32>,
      %get3A_648 = vector.shape_cast %get3A_647 : vector<16xf32> to vector<16xf32>
      %mul3A_649 = arith.mulf %abs3A, %get3A_648 : vector<16xf32>
      %add3A_650 = arith.addf %scan3A_634, %mul3A_649 : vector<16xf32>
      scf.yield %add3A_650 : vector<16xf32>
    }
    %scan3A_510 = arith.constant 8 : i32
    %barrier3A_511 = arith.constant 0 : index
    tpu.barrier barrier_id(%barrier3A_511)
    %mul3A_512 = arith.constant 8 : i32
    %mul3A_513 = arith.muli %arg0, %mul3A_512 : i32
    %add3A_514 = arith.constant 6 : i32
    %add3A_515 = arith.addi %mul3A_513, %add3A_514 : i32
    %mul3A_516 = arith.constant 512 : i32
    %mul3A_517 = arith.muli %add3A_515, %mul3A_516 : i32
    %mul3A_518 = arith.constant 64 : i32
    %mul3A_519 = arith.muli %arg1, %mul3A_518 : i32
    %add3A_520 = arith.addi %mul3A_517, %mul3A_519 : i32
    %add3A_521 = arith.constant 0 : i32
    %add3A_522 = arith.addi %add3A_520, %add3A_521 : i32
    %multiple_of3A_523 = tpu.assume_multiple %add3A_522, 8 : i32
    %dma_wait3A_524 = arith.constant 0 : i32
    %dma_wait3A_525 = tpu.memref_slice %arg2[%multiple_of3A_523, %dma_wait3A_524] : memref<8192x512xf32, #tpu.memory_space<hbm>> -> memref<32x512xf32, #tpu.memory_space<hbm>>
    %dma_wait3A_526 = arith.constant 0 : i32
    %dma_wait3A_527 = tpu.memref_slice %arg2[%multiple_of3A_523, %dma_wait3A_526] : memref<8192x512xf32, #tpu.memory_space<hbm>> -> memref<32x512xf32, #tpu.memory_space<hbm>>
    tpu.wait_dma2 semaphore(%arg18 : memref<!tpu.dma_semaphore, #tpu.memory_space<semaphore_mem>>) src(%dma_wait3A_527 : memref<32x512xf32, #tpu.memory_space<hbm>>) dst(%arg8 : memref<32x512xf32, #tpu.memory_space<vmem>>)
    %mul3A_528 = arith.constant 64 : i32
    %mul3A_529 = arith.muli %arg1, %mul3A_528 : i32
    %add3A_530 = arith.constant 0 : i32
    %add3A_531 = arith.addi %mul3A_529, %add3A_530 : i32
    %scan3A_532 = arith.constant 0 : i32
    %scan3A_533 = arith.constant 0 : i32
    %scan3A_534 = arith.constant 32 : i32
    %scan3A_535 = arith.addi %scan3A_533, %scan3A_534 : i32
    %scan3A_536 = arith.constant 1 : i32
    scf.for %scan3A_633 = %scan3A_533 to %scan3A_535 step %scan3A_536  : i32 {
      %add3A_634 = arith.addi %add3A_531, %scan3A_633 : i32
      %mul3A_635 = arith.constant 512 : i32
      %mul3A_636 = arith.muli %add3A_634, %mul3A_635 : i32
      %dma_start3A_637 = arith.constant 0 : i32
      %dma_start3A_638 = tpu.memref_slice %arg8[%scan3A_633, %dma_start3A_637] : memref<32x512xf32, #tpu.memory_space<vmem>> -> memref<1x512xf32, #tpu.memory_space<vmem>>
      %dma_start3A_639 = tpu.memref_squeeze %dma_start3A_638 : memref<1x512xf32, #tpu.memory_space<vmem>> -> memref<512xf32, #tpu.memory_space<vmem>>
      %dma_start3A_640 = tpu.memref_slice %arg7[%mul3A_636] : memref<524288xf32, #tpu.memory_space<vmem_shared>> -> memref<512xf32, #tpu.memory_space<vmem_shared>>
      %dma_start3A_641 = tpu.memref_slice %arg7[%mul3A_636] : memref<524288xf32, #tpu.memory_space<vmem_shared>> -> memref<512xf32, #tpu.memory_space<vmem_shared>>
      %dma_start3A_642 = arith.constant 0 : i32
      %dma_start3A_643 = tpu.memref_slice %arg8[%scan3A_633, %dma_start3A_642] : memref<32x512xf32, #tpu.memory_space<vmem>> -> memref<1x512xf32, #tpu.memory_space<vmem>>
      %dma_start3A_644 = tpu.memref_squeeze %dma_start3A_643 : memref<1x512xf32, #tpu.memory_space<vmem>> -> memref<512xf32, #tpu.memory_space<vmem>>
      tpu.enqueue_dma source(%dma_start3A_644 : memref<512xf32, #tpu.memory_space<vmem>>) target(%dma_start3A_641 : memref<512xf32, #tpu.memory_space<vmem_shared>>) target_semaphore(%arg19 : memref<!tpu.dma_semaphore, #tpu.memory_space<semaphore_mem>>)
    }
    %scan3A_537 = arith.constant 32 : i32
    %mul3A_538 = arith.constant 8 : i32
    %mul3A_539 = arith.muli %arg0, %mul3A_538 : i32
    %add3A_540 = arith.constant 6 : i32
    %add3A_541 = arith.addi %mul3A_539, %add3A_540 : i32
    %mul3A_542 = arith.constant 512 : i32
    %mul3A_543 = arith.muli %add3A_541, %mul3A_542 : i32
    %mul3A_544 = arith.constant 64 : i32
    %mul3A_545 = arith.muli %arg1, %mul3A_544 : i32
    %add3A_546 = arith.addi %mul3A_543, %mul3A_545 : i32
    %add3A_547 = arith.constant 32 : i32
    %add3A_548 = arith.addi %add3A_546, %add3A_547 : i32
    %multiple_of3A_549 = tpu.assume_multiple %add3A_548, 8 : i32
    %dma_wait3A_550 = arith.constant 0 : i32
    %dma_wait3A_551 = tpu.memref_slice %arg2[%multiple_of3A_549, %dma_wait3A_550] : memref<8192x512xf32, #tpu.memory_space<hbm>> -> memref<32x512xf32, #tpu.memory_space<hbm>>
    %dma_wait3A_552 = arith.constant 0 : i32
    %dma_wait3A_553 = tpu.memref_slice %arg2[%multiple_of3A_549, %dma_wait3A_552] : memref<8192x512xf32, #tpu.memory_space<hbm>> -> memref<32x512xf32, #tpu.memory_space<hbm>>
    tpu.wait_dma2 semaphore(%arg18 : memref<!tpu.dma_semaphore, #tpu.memory_space<semaphore_mem>>) src(%dma_wait3A_553 : memref<32x512xf32, #tpu.memory_space<hbm>>) dst(%arg9 : memref<32x512xf32, #tpu.memory_space<vmem>>)
    %mul3A_554 = arith.constant 64 : i32
    %mul3A_555 = arith.muli %arg1, %mul3A_554 : i32
    %add3A_556 = arith.constant 32 : i32
    %add3A_557 = arith.addi %mul3A_555, %add3A_556 : i32
    %scan3A_558 = arith.constant 0 : i32
    %scan3A_559 = arith.constant 0 : i32
    %scan3A_560 = arith.constant 32 : i32
    %scan3A_561 = arith.addi %scan3A_559, %scan3A_560 : i32
    %scan3A_562 = arith.constant 1 : i32
    scf.for %scan3A_633 = %scan3A_559 to %scan3A_561 step %scan3A_562  : i32 {
      %add3A_634 = arith.addi %add3A_557, %scan3A_633 : i32
      %mul3A_635 = arith.constant 512 : i32
      %mul3A_636 = arith.muli %add3A_634, %mul3A_635 : i32
      %dma_start3A_637 = arith.constant 0 : i32
      %dma_start3A_638 = tpu.memref_slice %arg9[%scan3A_633, %dma_start3A_637] : memref<32x512xf32, #tpu.memory_space<vmem>> -> memref<1x512xf32, #tpu.memory_space<vmem>>
      %dma_start3A_639 = tpu.memref_squeeze %dma_start3A_638 : memref<1x512xf32, #tpu.memory_space<vmem>> -> memref<512xf32, #tpu.memory_space<vmem>>
      %dma_start3A_640 = tpu.memref_slice %arg7[%mul3A_636] : memref<524288xf32, #tpu.memory_space<vmem_shared>> -> memref<512xf32, #tpu.memory_space<vmem_shared>>
      %dma_start3A_641 = tpu.memref_slice %arg7[%mul3A_636] : memref<524288xf32, #tpu.memory_space<vmem_shared>> -> memref<512xf32, #tpu.memory_space<vmem_shared>>
      %dma_start3A_642 = arith.constant 0 : i32
      %dma_start3A_643 = tpu.memref_slice %arg9[%scan3A_633, %dma_start3A_642] : memref<32x512xf32, #tpu.memory_space<vmem>> -> memref<1x512xf32, #tpu.memory_space<vmem>>
      %dma_start3A_644 = tpu.memref_squeeze %dma_start3A_643 : memref<1x512xf32, #tpu.memory_space<vmem>> -> memref<512xf32, #tpu.memory_space<vmem>>
      tpu.enqueue_dma source(%dma_start3A_644 : memref<512xf32, #tpu.memory_space<vmem>>) target(%dma_start3A_641 : memref<512xf32, #tpu.memory_space<vmem_shared>>) target_semaphore(%arg19 : memref<!tpu.dma_semaphore, #tpu.memory_space<semaphore_mem>>)
    }
    %scan3A_563 = arith.constant 32 : i32
    %dma_wait3A_564 = arith.constant 0 : i32
    %dma_wait3A_565 = arith.constant 0 : i32
    %dma_wait3A_566 = tpu.memref_slice %arg2[%dma_wait3A_564, %dma_wait3A_565] : memref<8192x512xf32, #tpu.memory_space<hbm>> -> memref<32x512xf32, #tpu.memory_space<hbm>>
    %dma_wait3A_567 = arith.constant 0 : i32
    %dma_wait3A_568 = arith.constant 0 : i32
    %dma_wait3A_569 = tpu.memref_slice %arg2[%dma_wait3A_567, %dma_wait3A_568] : memref<8192x512xf32, #tpu.memory_space<hbm>> -> memref<32x512xf32, #tpu.memory_space<hbm>>
    tpu.wait_dma2 semaphore(%arg19 : memref<!tpu.dma_semaphore, #tpu.memory_space<semaphore_mem>>) src(%dma_wait3A_569 : memref<32x512xf32, #tpu.memory_space<hbm>>) dst(%arg8 : memref<32x512xf32, #tpu.memory_space<vmem>>)
    %dma_wait3A_570 = arith.constant 0 : i32
    %dma_wait3A_571 = arith.constant 0 : i32
    %dma_wait3A_572 = tpu.memref_slice %arg2[%dma_wait3A_570, %dma_wait3A_571] : memref<8192x512xf32, #tpu.memory_space<hbm>> -> memref<32x512xf32, #tpu.memory_space<hbm>>
    %dma_wait3A_573 = arith.constant 0 : i32
    %dma_wait3A_574 = arith.constant 0 : i32
    %dma_wait3A_575 = tpu.memref_slice %arg2[%dma_wait3A_573, %dma_wait3A_574] : memref<8192x512xf32, #tpu.memory_space<hbm>> -> memref<32x512xf32, #tpu.memory_space<hbm>>
    tpu.wait_dma2 semaphore(%arg19 : memref<!tpu.dma_semaphore, #tpu.memory_space<semaphore_mem>>) src(%dma_wait3A_575 : memref<32x512xf32, #tpu.memory_space<hbm>>) dst(%arg9 : memref<32x512xf32, #tpu.memory_space<vmem>>)
    %barrier3A_576 = arith.constant 0 : index
    tpu.barrier barrier_id(%barrier3A_576)
    %dma_start3A_577 = arith.constant 0 : i32
    %dma_start3A_578 = arith.constant 0 : i32
    %dma_start3A_579 = arith.constant 0 : i32
    %dma_start3A_580 = tpu.memref_slice %arg14[%dma_start3A_578, %dma_start3A_579] : memref<2x128xf32, #tpu.memory_space<vmem>> -> memref<1x128xf32, #tpu.memory_space<vmem>>
    %dma_start3A_581 = tpu.memref_squeeze %dma_start3A_580 : memref<1x128xf32, #tpu.memory_space<vmem>> -> memref<128xf32, #tpu.memory_space<vmem>>
    %dma_start3A_582 = arith.constant 0 : i32
    %dma_start3A_583 = tpu.memref_slice %arg13[%dma_start3A_577, %dma_start3A_582] : memref<2x128xi32, #tpu.memory_space<vmem>> -> memref<1x128xi32, #tpu.memory_space<vmem>>
    %dma_start3A_584 = tpu.memref_squeeze %dma_start3A_583 : memref<1x128xi32, #tpu.memory_space<vmem>> -> memref<128xi32, #tpu.memory_space<vmem>>
    %dma_start3A_585 = arith.constant 0 : i32
    %dma_start3A_586 = tpu.memref_slice %arg7[%dma_start3A_585] : memref<524288xf32, #tpu.memory_space<vmem_shared>> -> memref<524288xf32, #tpu.memory_space<vmem_shared>>
    tpu.enqueue_indirect_dma source(%dma_start3A_586 : memref<524288xf32, #tpu.memory_space<vmem_shared>>) target(%dma_start3A_581 : memref<128xf32, #tpu.memory_space<vmem>>) offsets(%dma_start3A_584 : memref<128xi32, #tpu.memory_space<vmem>>) semaphore(%arg20 : memref<!tpu.dma_semaphore, #tpu.memory_space<semaphore_mem>>)
    %dma_start3A_587 = arith.constant 1 : i32
    %dma_start3A_588 = arith.constant 1 : i32
    %dma_start3A_589 = arith.constant 0 : i32
    %dma_start3A_590 = tpu.memref_slice %arg14[%dma_start3A_588, %dma_start3A_589] : memref<2x128xf32, #tpu.memory_space<vmem>> -> memref<1x128xf32, #tpu.memory_space<vmem>>
    %dma_start3A_591 = tpu.memref_squeeze %dma_start3A_590 : memref<1x128xf32, #tpu.memory_space<vmem>> -> memref<128xf32, #tpu.memory_space<vmem>>
    %dma_start3A_592 = arith.constant 0 : i32
    %dma_start3A_593 = tpu.memref_slice %arg13[%dma_start3A_587, %dma_start3A_592] : memref<2x128xi32, #tpu.memory_space<vmem>> -> memref<1x128xi32, #tpu.memory_space<vmem>>
    %dma_start3A_594 = tpu.memref_squeeze %dma_start3A_593 : memref<1x128xi32, #tpu.memory_space<vmem>> -> memref<128xi32, #tpu.memory_space<vmem>>
    %dma_start3A_595 = arith.constant 0 : i32
    %dma_start3A_596 = tpu.memref_slice %arg7[%dma_start3A_595] : memref<524288xf32, #tpu.memory_space<vmem_shared>> -> memref<524288xf32, #tpu.memory_space<vmem_shared>>
    tpu.enqueue_indirect_dma source(%dma_start3A_596 : memref<524288xf32, #tpu.memory_space<vmem_shared>>) target(%dma_start3A_591 : memref<128xf32, #tpu.memory_space<vmem>>) offsets(%dma_start3A_594 : memref<128xi32, #tpu.memory_space<vmem>>) semaphore(%arg20 : memref<!tpu.dma_semaphore, #tpu.memory_space<semaphore_mem>>)
    %dma_wait3A_597 = arith.constant 0 : i32
    %dma_wait3A_598 = arith.constant 0 : i32
    %dma_wait3A_599 = arith.constant 0 : i32
    %dma_wait3A_600 = tpu.memref_slice %arg14[%dma_wait3A_598, %dma_wait3A_599] : memref<2x128xf32, #tpu.memory_space<vmem>> -> memref<1x128xf32, #tpu.memory_space<vmem>>
    %dma_wait3A_601 = tpu.memref_squeeze %dma_wait3A_600 : memref<1x128xf32, #tpu.memory_space<vmem>> -> memref<128xf32, #tpu.memory_space<vmem>>
    %dma_wait3A_602 = arith.constant 0 : i32
    %dma_wait3A_603 = tpu.memref_slice %arg13[%dma_wait3A_597, %dma_wait3A_602] : memref<2x128xi32, #tpu.memory_space<vmem>> -> memref<1x128xi32, #tpu.memory_space<vmem>>
    %dma_wait3A_604 = tpu.memref_squeeze %dma_wait3A_603 : memref<1x128xi32, #tpu.memory_space<vmem>> -> memref<128xi32, #tpu.memory_space<vmem>>
    %dma_wait3A_605 = arith.constant 0 : i32
    %dma_wait3A_606 = tpu.memref_slice %arg7[%dma_wait3A_605] : memref<524288xf32, #tpu.memory_space<vmem_shared>> -> memref<524288xf32, #tpu.memory_space<vmem_shared>>
    tpu.wait_indirect_dma semaphore(%arg20 : memref<!tpu.dma_semaphore, #tpu.memory_space<semaphore_mem>>) src(%dma_wait3A_606 : memref<524288xf32, #tpu.memory_space<vmem_shared>>) dst(%dma_wait3A_601 : memref<128xf32, #tpu.memory_space<vmem>>)
    %dma_wait3A_607 = arith.constant 1 : i32
    %dma_wait3A_608 = arith.constant 1 : i32
    %dma_wait3A_609 = arith.constant 0 : i32
    %dma_wait3A_610 = tpu.memref_slice %arg14[%dma_wait3A_608, %dma_wait3A_609] : memref<2x128xf32, #tpu.memory_space<vmem>> -> memref<1x128xf32, #tpu.memory_space<vmem>>
    %dma_wait3A_611 = tpu.memref_squeeze %dma_wait3A_610 : memref<1x128xf32, #tpu.memory_space<vmem>> -> memref<128xf32, #tpu.memory_space<vmem>>
    %dma_wait3A_612 = arith.constant 0 : i32
    %dma_wait3A_613 = tpu.memref_slice %arg13[%dma_wait3A_607, %dma_wait3A_612] : memref<2x128xi32, #tpu.memory_space<vmem>> -> memref<1x128xi32, #tpu.memory_space<vmem>>
    %dma_wait3A_614 = tpu.memref_squeeze %dma_wait3A_613 : memref<1x128xi32, #tpu.memory_space<vmem>> -> memref<128xi32, #tpu.memory_space<vmem>>
    %dma_wait3A_615 = arith.constant 0 : i32
    %dma_wait3A_616 = tpu.memref_slice %arg7[%dma_wait3A_615] : memref<524288xf32, #tpu.memory_space<vmem_shared>> -> memref<524288xf32, #tpu.memory_space<vmem_shared>>
    tpu.wait_indirect_dma semaphore(%arg20 : memref<!tpu.dma_semaphore, #tpu.memory_space<semaphore_mem>>) src(%dma_wait3A_616 : memref<524288xf32, #tpu.memory_space<vmem_shared>>) dst(%dma_wait3A_611 : memref<128xf32, #tpu.memory_space<vmem>>)
    %scan3A_617 = arith.constant 0 : i32
    %scan3A_618 = arith.constant 8 : i32
    %scan3A_619 = arith.addi %scan3A_617, %scan3A_618 : i32
    %scan3A_620 = arith.constant 1 : i32
    %scan3A_621 = scf.for %scan3A_633 = %scan3A_617 to %scan3A_619 step %scan3A_620 iter_args(%scan3A_634 = %scan3A_509) -> (vector<16xf32>)  : i32 {
      %mul3A_635 = arith.constant 16 : i32
      %mul3A_636 = arith.muli %scan3A_633, %mul3A_635 : i32
      %get3A = arith.constant 0 : i32
      %get3A_637 = arith.index_cast %get3A : i32 to index
      %get3A_638 = arith.index_cast %mul3A_636 : i32 to index
      %get3A_639 = tpu.vector_load %arg14[%get3A_637, %get3A_638] {strides = array<i32>} : memref<2x128xf32, #tpu.memory_space<vmem>>, vector<1x16xf32>,
      %get3A_640 = vector.shape_cast %get3A_639 : vector<1x16xf32> to vector<16xf32>
      %add3A_641 = arith.constant 768 : i32
      %add3A_642 = arith.addi %add3A_641, %mul3A_636 : i32
      %get3A_643 = arith.index_cast %add3A_642 : i32 to index
      %get3A_644 = tpu.vector_load %arg15[%get3A_643] {strides = array<i32>} : memref<1024xf32, #tpu.memory_space<vmem>>, vector<16xf32>,
      %get3A_645 = vector.shape_cast %get3A_644 : vector<16xf32> to vector<16xf32>
      %sub3A = arith.subf %get3A_640, %get3A_645 : vector<16xf32>
      %abs3A = math.absf %sub3A : vector<16xf32>
      %get3A_646 = arith.index_cast %mul3A_636 : i32 to index
      %get3A_647 = tpu.vector_load %arg16[%get3A_646] {strides = array<i32>} : memref<128xf32, #tpu.memory_space<vmem>>, vector<16xf32>,
      %get3A_648 = vector.shape_cast %get3A_647 : vector<16xf32> to vector<16xf32>
      %mul3A_649 = arith.mulf %abs3A, %get3A_648 : vector<16xf32>
      %add3A_650 = arith.addf %scan3A_634, %mul3A_649 : vector<16xf32>
      scf.yield %add3A_650 : vector<16xf32>
    }
    %scan3A_622 = arith.constant 8 : i32
    %scan3A_623 = arith.constant 0 : i32
    %scan3A_624 = arith.constant 8 : i32
    %scan3A_625 = arith.addi %scan3A_623, %scan3A_624 : i32
    %scan3A_626 = arith.constant 1 : i32
    %scan3A_627 = scf.for %scan3A_633 = %scan3A_623 to %scan3A_625 step %scan3A_626 iter_args(%scan3A_634 = %scan3A_621) -> (vector<16xf32>)  : i32 {
      %mul3A_635 = arith.constant 16 : i32
      %mul3A_636 = arith.muli %scan3A_633, %mul3A_635 : i32
      %get3A = arith.constant 1 : i32
      %get3A_637 = arith.index_cast %get3A : i32 to index
      %get3A_638 = arith.index_cast %mul3A_636 : i32 to index
      %get3A_639 = tpu.vector_load %arg14[%get3A_637, %get3A_638] {strides = array<i32>} : memref<2x128xf32, #tpu.memory_space<vmem>>, vector<1x16xf32>,
      %get3A_640 = vector.shape_cast %get3A_639 : vector<1x16xf32> to vector<16xf32>
      %add3A_641 = arith.constant 896 : i32
      %add3A_642 = arith.addi %add3A_641, %mul3A_636 : i32
      %get3A_643 = arith.index_cast %add3A_642 : i32 to index
      %get3A_644 = tpu.vector_load %arg15[%get3A_643] {strides = array<i32>} : memref<1024xf32, #tpu.memory_space<vmem>>, vector<16xf32>,
      %get3A_645 = vector.shape_cast %get3A_644 : vector<16xf32> to vector<16xf32>
      %sub3A = arith.subf %get3A_640, %get3A_645 : vector<16xf32>
      %abs3A = math.absf %sub3A : vector<16xf32>
      %get3A_646 = arith.index_cast %mul3A_636 : i32 to index
      %get3A_647 = tpu.vector_load %arg16[%get3A_646] {strides = array<i32>} : memref<128xf32, #tpu.memory_space<vmem>>, vector<16xf32>,
      %get3A_648 = vector.shape_cast %get3A_647 : vector<16xf32> to vector<16xf32>
      %mul3A_649 = arith.mulf %abs3A, %get3A_648 : vector<16xf32>
      %add3A_650 = arith.addf %scan3A_634, %mul3A_649 : vector<16xf32>
      scf.yield %add3A_650 : vector<16xf32>
    }
    %scan3A_628 = arith.constant 8 : i32
    %barrier3A_629 = arith.constant 0 : index
    tpu.barrier barrier_id(%barrier3A_629)
    %swap3A = arith.constant 0 : index
    %swap3A_630 = tpu.vector_load %arg17[%swap3A] {strides = array<i32>} : memref<16xf32, #tpu.memory_space<vmem>>, vector<16xf32>,
    %swap3A_631 = vector.shape_cast %swap3A_630 : vector<16xf32> to vector<16xf32>
    %swap3A_632 = vector.shape_cast %scan3A_627 : vector<16xf32> to vector<16xf32>
    tpu.vector_store %arg17[%swap3A], %swap3A_632 {strides = array<i32>} : memref<16xf32, #tpu.memory_space<vmem>>, vector<16xf32>,
    "tpu.region"() ({
      %run_scoped3A = tpu.sem_alloc : memref<!tpu.dma_semaphore, #tpu.memory_space<semaphore_mem>>
      %dma_start3A_633 = arith.constant 0 : i32
      %dma_start3A_634 = tpu.memref_slice %arg6[%add3A, %dma_start3A_633] : memref<32x16xf32, #tpu.memory_space<hbm>> -> memref<1x16xf32, #tpu.memory_space<hbm>>
      %dma_start3A_635 = tpu.memref_squeeze %dma_start3A_634 : memref<1x16xf32, #tpu.memory_space<hbm>> -> memref<16xf32, #tpu.memory_space<hbm>>
      %dma_start3A_636 = arith.constant 0 : i32
      %dma_start3A_637 = tpu.memref_slice %arg6[%add3A, %dma_start3A_636] : memref<32x16xf32, #tpu.memory_space<hbm>> -> memref<1x16xf32, #tpu.memory_space<hbm>>
      %dma_start3A_638 = tpu.memref_squeeze %dma_start3A_637 : memref<1x16xf32, #tpu.memory_space<hbm>> -> memref<16xf32, #tpu.memory_space<hbm>>
      tpu.enqueue_dma source(%arg17 : memref<16xf32, #tpu.memory_space<vmem>>) target(%dma_start3A_638 : memref<16xf32, #tpu.memory_space<hbm>>) target_semaphore(%run_scoped3A : memref<!tpu.dma_semaphore, #tpu.memory_space<semaphore_mem>>)
      %dma_wait3A_639 = arith.constant 0 : i32
      %dma_wait3A_640 = tpu.memref_slice %arg6[%add3A, %dma_wait3A_639] : memref<32x16xf32, #tpu.memory_space<hbm>> -> memref<1x16xf32, #tpu.memory_space<hbm>>
      %dma_wait3A_641 = tpu.memref_squeeze %dma_wait3A_640 : memref<1x16xf32, #tpu.memory_space<hbm>> -> memref<16xf32, #tpu.memory_space<hbm>>
      %dma_wait3A_642 = arith.constant 0 : i32
      %dma_wait3A_643 = tpu.memref_slice %arg6[%add3A, %dma_wait3A_642] : memref<32x16xf32, #tpu.memory_space<hbm>> -> memref<1x16xf32, #tpu.memory_space<hbm>>
      %dma_wait3A_644 = tpu.memref_squeeze %dma_wait3A_643 : memref<1x16xf32, #tpu.memory_space<hbm>> -> memref<16xf32, #tpu.memory_space<hbm>>
      tpu.wait_dma2 semaphore(%run_scoped3A : memref<!tpu.dma_semaphore, #tpu.memory_space<semaphore_mem>>) src(%arg17 : memref<16xf32, #tpu.memory_space<vmem>>) dst(%dma_wait3A_644 : memref<16xf32, #tpu.memory_space<hbm>>)
      tpu.yield
    }) : () -> ()
    return
  }
}

module attributes {stable_mosaic.version = 14 : i64} {
  func.func @_reduce_body(%arg0: memref<32x16xf32, #tpu.memory_space<vmem>>, %arg1: memref<1x1xf32, #tpu.memory_space<vmem>>) attributes {dimension_semantics = [], scalar_prefetch = 0 : i64, scratch_operands = 0 : i64, tpu.core_type = #tpu.core_type<tc>} {
    %get3A = arith.constant 0 : index
    %get3A_0 = arith.constant 0 : index
    %get3A_1 = vector.load %arg0[%get3A, %get3A_0] : memref<32x16xf32, #tpu.memory_space<vmem>>, vector<32x16xf32>
    %reduce_sum3A = vector.shape_cast %get3A_1 : vector<32x16xf32> to vector<1x32x16xf32>
    %reduce_sum3A_2 = arith.constant dense<0.000000e+00> : vector<1xf32>
    %reduce_sum3A_3 = vector.multi_reduction <add>, %reduce_sum3A, %reduce_sum3A_2 [1, 2] : vector<1x32x16xf32> to vector<1xf32>
    %reduce_sum3A_4 = vector.shape_cast %reduce_sum3A_3 : vector<1xf32> to vector<1x1x1xf32>
    %reduce_sum3A_5 = vector.extract %reduce_sum3A_4[0, 0, 0] : f32 from vector<1x1x1xf32>
    %mul3A = arith.constant 3.125000e-05 : f32
    %mul3A_6 = arith.mulf %reduce_sum3A_5, %mul3A : f32
    %broadcast_in_dim3A = vector.broadcast %mul3A_6 : f32 to vector<1x1xf32>
    %swap3A = arith.constant 0 : index
    %swap3A_7 = arith.constant 0 : index
    %swap3A_8 = vector.load %arg1[%swap3A, %swap3A_7] : memref<1x1xf32, #tpu.memory_space<vmem>>, vector<1x1xf32>
    tpu.vector_store %arg1[%swap3A, %swap3A_7], %broadcast_in_dim3A {strides = array<i32>} : memref<1x1xf32, #tpu.memory_space<vmem>>, vector<1x1xf32>,
    return
  }
}

</mosaic_0001>

<sc_bundles>
// kernel: kernel.4.cloned.1.call-start
scs
__scs_entry_jumppad:
0x0: {  	(pc) =	sbr.rel $0x88, $3  }
0x1: {  	(tag) =	ssettag $0x0;
	lr =	simm.s32 $0x1  }
0x2: {  	[smem:$0x3F9D] =	sst lr;
	_ =	strace $0xD0000000  }
0x3: {  	_ = 	snop  }
0x4: {  	_ = 	snop  }
0x5: {  	_ = 	snop  }
0x6: {  	_ = 	snop  }
0x7: {  	_ = 	snop  }
__scs_overlays_trampoline_lowered:
0x8: {  	[smem:$0x3FAC] =	sst s0  }
0x9: {  	[smem:$0x3FAD] =	sst s1  }
0xa: {  	[smem:$0x3FAE] =	sst s2  }
0xb: {  	[smem:$0x3FAF] =	sst s3  }
0xc: {  	[smem:$0x3FB0] =	sst s4  }
0xd: {  	[smem:$0x3FB1] =	sst s5  }
0xe: {  	[smem:$0x3FB2] =	sst s6  }
0xf: {  	[smem:$0x3FB3] =	sst s7  }
0x10: {  	[smem:$0x3FB4] =	sst s8  }
0x11: {  	[smem:$0x3FB5] =	sst s9;
	s0 =	simm.s32 @!p0 $0x0  }
0x12: {  	s1 =	sld [smem:$0x3F9B];
	s0 =	simm.s32 @p0 $0x1  }
0x13: {  	[smem:$0x3FB6] =	sst s0;
	s0 =	simm.s32 @!p1 $0x0  }
0x14: {  	s2 =	sld [smem:$0x3F9A];
	s0 =	simm.s32 @p1 $0x1  }
0x15: {  	[smem:$0x3FB7] =	sst s0;
	s0 =	simm.s32 @!p2 $0x0  }
0x16: {  	s3 =	sld [smem:$0x3FDB];
	s0 =	simm.s32 @p2 $0x1  }
0x17: {  	s4 =	simm.s32 $0x1BF5;
	[smem:$0x3FB9] =	sst s0  }
0x18: {  	s0 =	sld [smem:$0x3F9C];
	_ =	swait.ge [sflag:s4], $0x0  }
0x19: {  	s7 =	sld [smem:$0x3F9D]  }
0x1a: {  	s8 =	sadd.s32 $0xFFFFE003, lr  }
0x1b: {  	s9 =	sadd.s32 $0xFFFFFEF7, lr;
	s5 =	simm.s32 $0xFFFFFFFF;
	p2 =	slt.u32 s8, $0xFFFFF086  }
0x1c: {  	p1 =	slt.u32 s9, $0xF7A;
	s5 =	simm.s32 @!p2 $0x0  }
0x1d: {  	s5 =	simm.s32 @p1 $0x1;
	p0 =	seq.s32 s7, s2  }
0x1e: {  	s7 =	smul.u32 @!p0 $0xF7A, s2;
	p2 =	seq.s32 @!p0 s5, $0x0  }
0x1f: {  	s9 =	smul.u32 $0xF7A, s1;
	s8 =	simm.s32 @!p0 $0x1BF5;
	p2 =	por !p2, p0  }
0x20: {  	[sflag:s8] =	ssyncset.s32 @!p0 $0xFFFFF086;
	s6 =	sadd.s32 @!p0 s3, s7;
	s7 =	simm.s32 @!p0 $0x108  }
0x21: {  	s3 =	sadd.s32 s3, s9;
	s6 =	sadd.s32 @!p0 $0x88, s6;
	s7 =	simm.s32 @p2 $0x1082  }
0x22: {  	[simem:s7], [sflag:s8] =	dma.local @!p0 [hbm:s6], $0xF7A  }
0x23: {  	s9 =	sor.u32 $0xD0000000, s2;
	s6 =	simm.s32 $0x108;
	_ =	swait.ge @!p0 [sflag:s8], $0x0  }
0x24: {  	s3 =	sadd.s32 $0x88, s3;
	s6 =	simm.s32 @!p1 $0x1082;
	[sflag:s4] =	ssyncset.s32 $0xFFFFF086  }
0x25: {  	[simem:s6], [sflag:s4] =	dma.local [hbm:s3], $0xF7A  }
0x26: {  	[smem:$0x3F9D] =	sst s1;
	(tag) =	ssettag s2;
	_ =	strace s9  }
0x27: {  	s1 =	sld [smem:$0x3FAD]  }
0x28: {  	s2 =	sld [smem:$0x3FAE]  }
0x29: {  	s4 =	sld [smem:$0x3FB0]  }
0x2a: {  	p0 =	seq.s32 s5, $0x0;
	s5 =	sld [smem:$0x3FB1]  }
0x2b: {  	s6 =	sld [smem:$0x3FB2]  }
0x2c: {  	s7 =	sld [smem:$0x3FB3]  }
0x2d: {  	s3 =	simm.s32 $0x108;
	s8 =	sld [smem:$0x3FB4]  }
0x2e: {  	s3 =	simm.s32 @!p0 $0x1082;
	s9 =	sld [smem:$0x3FB5]  }
0x2f: {  	lr =	sadd.s32 s0, s3;
	s0 =	sld [smem:$0x3FAC]  }
0x30: {  	s3 =	sld [smem:$0x3FAF]  }
0x31: {  	[smem:$0x3FB8] =	sst s10  }
0x32: {  	s10 =	sld [smem:$0x3FB6];
	_ =	sdelay $0x3  }
0x33: {  	p0 =	seq.s32 s10, $0x1;
	s10 =	sld [smem:$0x3FB8];
	_ =	sdelay $0x3  }
0x34: {  	[smem:$0x3FB8] =	sst s10  }
0x35: {  	s10 =	sld [smem:$0x3FB7];
	_ =	sdelay $0x3  }
0x36: {  	p1 =	seq.s32 s10, $0x1;
	s10 =	sld [smem:$0x3FB8];
	_ =	sdelay $0x3  }
0x37: {  	[smem:$0x3FB8] =	sst s10  }
0x38: {  	s10 =	sld [smem:$0x3FB9]  }
0x39: {  	_ = 	snop;
	(pc) =	sbr.ind lr, $3  }
0x3a: {  	_ = 	snop  }
0x3b: {  	_ = 	snop  }
0x3c: {  	p2 =	seq.s32 s10, $0x1;
	s10 =	sld [smem:$0x3FB8]  }
0x3d: {  	_ =	shalt  }
0x3e: {  	_ =	shalt  }
0x3f: {  	_ =	shalt  }
0x40: {  	_ =	shalt  }
0x41: {  	_ =	shalt  }
0x42: {  	_ =	shalt  }
0x43: {  	_ =	shalt  }
0x44: {  	_ =	shalt  }
0x45: {  	_ =	shalt  }
0x46: {  	_ =	shalt  }
0x47: {  	_ =	shalt  }
0x48: {  	_ =	shalt  }
0x49: {  	_ =	shalt  }
0x4a: {  	_ =	shalt  }
0x4b: {  	_ =	shalt  }
0x4c: {  	_ =	shalt  }
0x4d: {  	_ =	shalt  }
0x4e: {  	_ =	shalt  }
0x4f: {  	_ =	shalt  }
0x50: {  	_ =	shalt  }
0x51: {  	_ =	shalt  }
0x52: {  	_ =	shalt  }
0x53: {  	_ =	shalt  }
0x54: {  	_ =	shalt  }
0x55: {  	_ =	shalt  }
0x56: {  	_ =	shalt  }
0x57: {  	_ =	shalt  }
0x58: {  	_ =	shalt  }
0x59: {  	_ =	shalt  }
0x5a: {  	_ =	shalt  }
0x5b: {  	_ =	shalt  }
0x5c: {  	_ =	shalt  }
0x5d: {  	_ =	shalt  }
0x5e: {  	_ =	shalt  }
0x5f: {  	_ =	shalt  }
0x60: {  	_ =	shalt  }
0x61: {  	_ =	shalt  }
0x62: {  	_ =	shalt  }
0x63: {  	_ =	shalt  }
0x64: {  	_ =	shalt  }
0x65: {  	_ =	shalt  }
0x66: {  	_ =	shalt  }
0x67: {  	_ =	shalt  }
0x68: {  	_ =	shalt  }
0x69: {  	_ =	shalt  }
0x6a: {  	_ =	shalt  }
0x6b: {  	_ =	shalt  }
0x6c: {  	_ =	shalt  }
0x6d: {  	_ =	shalt  }
0x6e: {  	_ =	shalt  }
0x6f: {  	_ =	shalt  }
0x70: {  	_ =	shalt  }
0x71: {  	_ =	shalt  }
0x72: {  	_ =	shalt  }
0x73: {  	_ =	shalt  }
0x74: {  	_ =	shalt  }
0x75: {  	_ =	shalt  }
0x76: {  	_ =	shalt  }
0x77: {  	_ =	shalt  }
0x78: {  	_ =	shalt  }
0x79: {  	_ =	shalt  }
0x7a: {  	_ =	shalt  }
0x7b: {  	_ =	shalt  }
0x7c: {  	_ =	shalt  }
0x7d: {  	_ =	shalt  }
0x7e: {  	_ =	shalt  }
0x7f: {  	_ =	shalt  }
0x80: {  	_ =	shalt  }
0x81: {  	_ =	shalt  }
0x82: {  	_ =	shalt  }
0x83: {  	_ =	shalt  }
0x84: {  	_ =	shalt  }
0x85: {  	_ =	shalt  }
0x86: {  	_ =	shalt  }
0x87: {  	_ =	shalt  }
.Lfunc_end0:
.L_simem_size_0:
called_computation_lowered:
.L_overlay_start_0:
0x88: {  	s2 =	sld [smem:$0x3FD9]  }
0x89: {  	s3 =	sld [smem:$0x3FFE];
	_ =	sdelay $0x1  }
0x8a: {  	s1 =	srdreg.scid  }
0x8b: {  	s0 =	sand.u32 $0x1, s1  }
0x8c: {  	s17 =	sshll.u32 s0, $0xA;
	s2 =	sadd.s32 s3, s2  }
0x8d: {  	s2 =	sadd.s32 s2, s17  }
0x8e: {  	[smem:$0x3FC4] =	sst s2  }
0x8f: {  	_ = 	snop  }
0x90: {  	s2 =	sld [smem:$0x3FC9]  }
0x91: {  	s18 =	sld [smem:$0x3FC7]  }
0x92: {  	s4 =	sld [smem:$0x3FC6];
	(tm) =	ssettm $0x1  }
0x93: {  	s5 =	sld [smem:$0x3FFB];
	_ =	sdelay $0x3  }
0x94: {  	_ =	strace s5  }
0x95: {  	s5 =	sld [smem:$0x3FFC];
	_ =	sdelay $0x3  }
0x96: {  	_ =	strace s5  }
0x97: {  	s5 =	sld [smem:$0x3FFD];
	_ =	sdelay $0x3  }
0x98: {  	_ =	strace s5  }
0x99: {  	_ =	strace $0x8FFFFFFF  }
0x9a: {  	s19 =	sld [smem:$0x3FDB];
	_ =	sdelay $0x1  }
0x9b: {  	s6 =	simm.s32 $_scs_section_size  }
0x9c: {  	s7 =	simm.s32 $_size__tile_overlayer_lowered;
	s8 =	simm.s32 $_tile_overlayer_lowered  }
0x9d: {  	s22 =	simm.s32 $0x1BFF;
	s21 =	sshll.u32 s8, $0x1;
	s5 =	sadd.s32 s6, s19  }
0x9e: {  	s9 =	simm.s32 $0x0;
	s20 =	sshll.u32 s7, $0x1;
	s7 =	sadd.s32 s21, s5  }
0x9f: {  	[timem:s9], [sflag:s22] =	dma.local [hbm:s7], s20  }
0xa0: {  	_ =	swait.ge [sflag:s22], s20  }
0xa1: {  	s6 =	ssub.s32 $0x0, s20;
	[sflag:s22] =	ssyncset.done $0x0  }
0xa2: {  	[sflag:s22] =	ssyncadd.s32 s6;
	_ =	sdelay $0x1  }
0xa3: {  	s23 =	simm.s32 $0x1B8B  }
0xa4: {  	_ =	swait.ge [sflag:s23], $0x1  }
0xa5: {  	[sflag:s23] =	ssyncset.done $0x0  }
0xa6: {  	s25 =	simm.s32 $0x1B8E;
	s24 =	sld [smem:$0x3FFE];
	[sflag:s23] =	ssyncadd.s32 $0xFFFFFFFF  }
0xa7: {  	s26 =	simm.s32 $execute0_lowered;
	[smem:$0x3FD2] =	sst s25  }
0xa8: {  	s7 =	sshll.u32 s26, $0x1;
	_ =	strace $0x80000046;
	[dreg:$0x1] =	wrdreg $0xFFFFFFFF  }
0xa9: {  	s28 =	simm.s32 $_size_execute0_lowered;
	s5 =	sadd.s32 s5, s7;
	[dreg:$0x0] =	wrdreg $0x0  }
0xaa: {  	s7 =	sshll.u32 s28, $0x1;
	[dreg:$0x2] =	wrdreg s5  }
0xab: {  	[dreg:$0x3] =	wrdreg s7  }
0xac: {  	[dreg:$0x4] =	wrdreg $0xC0  }
0xad: {  	_ =	task [dreg:s9], $0x5FFFF  }
0xae: {  	[dreg:$0x1] =	wrdreg $0xFFFFFFFF  }
0xaf: {  	[dreg:$0x0] =	wrdreg $0x60  }
0xb0: {  	[dreg:$0x2] =	wrdreg s2  }
0xb1: {  	[dreg:$0x3] =	wrdreg s24  }
0xb2: {  	[dreg:$0x4] =	wrdreg s18  }
0xb3: {  	[dreg:$0x5] =	wrdreg s4  }
0xb4: {  	[dreg:$0x6] =	wrdreg $0x0  }
0xb5: {  	[dreg:$0x7] =	wrdreg $0x9  }
0xb6: {  	_ =	task.clear_ibuf [dreg:s9], $0x8FFFF;
	_ =	strace $0x90000046  }
0xb7: {  	s29 =	simm.s32 $0x9;
	_ =	strace $0x80000048  }
0xb8: {  	_ =	swait.ge [sflag:s29], $0x1  }
0xb9: {  	[sflag:s29] =	ssyncadd.s32 $0xFFFFFFFF  }
0xba: {  	_ =	strace $0x90000048  }
0xbb: {  	_ =	sfence  }
0xbc: {  	s30 =	sld [smem:$0x0];
	_ =	sdelay $0x2  }
0xbd: {  	s31 =	sshll.u32 s1, $0xD;
	s1 =	sshrl.u32 s1, $0x2  }
0xbe: {  	s3 =	sand.u32 $0x4000, s31;
	s1 =	sadd.s32 s1, s30  }
0xbf: {  	s0 =	sor.u32 s3, s0;
	s1 =	sshll.u32 s1, $0x11  }
0xc0: {  	s0 =	sor.u32 s1, s0  }
0xc1: {  	s0 =	sadd.s32 $0x8F2B, s0  }
0xc2: {  	[sflag:s0] =	ssyncadd.remote.s32 $0x1  }
0xc3: {  	_ =	sfence.sel $0xFFFF  }
0xc4: {  	[dreg:$0x0] =	wrdreg $0xFFFFFFFF;
	(pc) =	sbr.abs _section_cstart, $3  }
0xc5: {  	[dreg:$0x1] =	wrdreg $0xFFFFFFFF  }
0xc6: {  	_ =	task.clear_ibuf [dreg:s9], $0x2FFFF;
	_ =	strace $0x9FFFFFFF  }
0xc7: {  	(tm) =	ssettm $0x7FFFFFFF  }
tec
execute0_lowered:
.L_overlay_start_1:
0x0: {  	(tag) =	ssettag $0x1  }
0x1: {  	s0 =	rddreg [dreg:$0x0]  }
0x2: {  	s3 =	rddreg [dreg:$0x1]  }
0x3: {  	s6 =	rddreg [dreg:$0x2]  }
0x4: {  	s7 =	rddreg [dreg:$0x3]  }
0x5: {  	s1 =	rddreg [dreg:$0x4];
	s2 =	simm.s32 $0x0  }
0x6: {  	s4 =	srdreg.scid;
	s11 =	stileid.u32;
	s28 =	simm.s32 $0x80  }
0x7: {  	s29 =	simm.s32 $0x10180;
	s30 =	simm.s32 $0x10280;
	s31 =	simm.s32 $0x10200  }
0x8: {  	[smem:$0x7FF] =	sst s2;
	s4 =	sand.u32 $0x1, s4;
	s10 =	sshll.u32 s11, $0xC  }
0x9: {  	s18 =	sshll.u32 s11, $0x4;
	s19 =	sshll.u32 s11, $0x8;
	s21 =	sadd.s32 $0xF0, s7  }
0xa: {  	s25 =	sshll.u32 s11, $0x5;
	s26 =	sshll.u32 s11, $0xF;
	p0 =	seq.s32 s11, $0xF  }
0xb: {  	_ =	strace $0x80000047;
	s5 =	sshll.u32 s4, $0x7;
	s16 =	sshll.u32 s4, $0x4  }
0xc: {  	s9 =	ssub.s32 $0x2, s4;
	s4 =	sshll.u32 s4, $0x12;
	s12 =	sadd.s32 s6, s18  }
0xd: {  	s6 =	sadd.s32 $0xF0, s6;
	[dreg:$0xa] =	wrdreg s21;
	s21 =	simm.s32 $0x8000  }
0xe: {  	s8 =	sadd.s32 s5, s3;
	s3 =	sadd.s32 s16, s3;
	s17 =	sshrl.u32 s9, $0x1  }
0xf: {  	s10 =	sor.u32 s10, s4;
	s4 =	sshll.u32 s11, $0x7;
	[dreg:$0x7] =	wrdreg s12  }
0x10: {  	[dreg:$0x9] =	wrdreg s6;
	s9 =	ssub.s32 s9, s17;
	s5 =	sadd.s32 s0, s10  }
0x11: {  	s20 =	sadd.s32 s19, s8;
	s0 =	sadd.s32 $0x800, s5;
	s22 =	sadd.s32 $0x10000, s5  }
0x12: {  	s23 =	sadd.s32 $0x10800, s5;
	s24 =	sadd.s32 $0x20000, s5;
	[dreg:$0x6] =	wrdreg s0  }
0x13: {  	s15 =	sadd.s32 $0x20800, s5;
	s16 =	sadd.s32 $0x30000, s5;
	[dreg:$0xc] =	wrdreg s22  }
0x14: {  	s17 =	sadd.s32 $0x30800, s5;
	s19 =	smax.u32 s9, $0x1;
	[dreg:$0xd] =	wrdreg s23  }
0x15: {  	s0 =	sadd.s32 s7, s18;
	[dreg:$0xe] =	wrdreg s24;
	s22 =	simm.s32 $0xC000  }
0x16: {  	v0 =	vlaneseq.u32;
	s24 =	simm.s32 $0x3;
	s23 =	simm.s32 $0x4;
	[dreg:$0x8] =	wrdreg s0  }
0x17: {  	v0 =	vmul.u32 $0xFFFFFFFF, v0;
	s0 =	sadd.s32 $0x600, s20;
	s20 =	sadd.s32 s26, s1;
	s26 =	simm.s32 $0x2  }
0x18: {  	[dreg:$0xb] =	wrdreg s0;
	s0 =	sadd.s32 s25, s3;
	s25 =	simm.s32 $0x1  }
0x19: {  	v1 =	vimm.s32 $0x0;
	v0 =	vadd.s32 $0x7D0, v0;
	s3 =	simm.s32 $0x0;
	s18 =	sadd.s32 $0x1600, s0;
	s0 =	simm.s32 $0x10300  }
.LBB2_1:
0x1a: {  	[tilespmem:s21], [sflag:$0x1] =	stream.linear.gather [hbm4b:s5+s2], $0x4000, $0x38;
	[tilespmem:$0x10880] =	vst v63  }
0x1b: {  	s6 =	rddreg [dreg:$0x6]  }
0x1c: {  	[tilespmem:s22], [sflag:$0x1] =	stream.linear.gather [hbm4b:s6+s2], $0x4000, $0x38;
	[tilespmem:$0x10880] =	vst v63  }
0x1d: {  	s7 =	simm.s32 @p0 $0x10000;
	s8 =	rddreg [dreg:$0x9];
	s6 =	simm.s32 @p0 $0x0  }
0x1e: {  	[tilespmem:s7], [sflag:$0x3] =	stream.linear.gather @p0 [hbm4b:s8+s6], $0x50, $0x38;
	[tilespmem:$0x10880] =	vst v63  }
0x1f: {  	s7 =	simm.s32 @p0 $0x10080;
	s8 =	rddreg [dreg:$0xa]  }
0x20: {  	[tilespmem:s7], [sflag:$0x3] =	stream.linear.gather @p0 [hbm4b:s8+s6], $0x50, $0x38;
	[tilespmem:$0x10880] =	vst v63  }
0x21: {  	s6 =	simm.s32 @!p0 $0x0;
	s7 =	simm.s32 @!p0 $0x10000;
	s8 =	rddreg [dreg:$0x7]  }
0x22: {  	[tilespmem:s7], [sflag:$0x3] =	stream.linear.gather @!p0 [hbm4b:s8+s6], $0x80, $0x38;
	[tilespmem:$0x10880] =	vst v63  }
0x23: {  	s7 =	simm.s32 @!p0 $0x10080;
	s8 =	rddreg [dreg:$0x8]  }
0x24: {  	[tilespmem:s7], [sflag:$0x3] =	stream.linear.gather @!p0 [hbm4b:s8+s6], $0x80, $0x38;
	[tilespmem:$0x10880] =	vst v63  }
0x25: {  	s13 =	rddreg [dreg:$0xb];
	s14 =	simm.s32 $0x10380;
	s6 =	simm.s32 @p0 $0x3  }
0x26: {  	[tilespmem:s14], [sflag:$0x3] =	stream.linear.gather [hbm4b:s13+s2], $0x400, $0x38;
	[tilespmem:$0x10880] =	vst v63  }
0x27: {  	_ =	swait.ge @p0 [sflag:s6], $0x50  }
0x28: {  	[sflag:s6] =	ssyncset.done @p0 $0x0  }
0x29: {  	[sflag:s6] =	ssyncadd.s32 @p0 $0xFFFFFFB0  }
0x2a: {  	_ =	swait.ge @p0 [sflag:s6], $0x50  }
0x2b: {  	[sflag:s6] =	ssyncset.done @p0 $0x0  }
0x2c: {  	[sflag:s6] =	ssyncadd.s32 @p0 $0xFFFFFFB0;
	s6 =	simm.s32 @!p0 $0x3  }
0x2d: {  	_ =	swait.ge @!p0 [sflag:s6], $0x80  }
0x2e: {  	[sflag:s6] =	ssyncset.done @!p0 $0x0  }
0x2f: {  	[sflag:s6] =	ssyncadd.s32 @!p0 $0xFFFFFF80  }
0x30: {  	_ =	swait.ge @!p0 [sflag:s6], $0x80  }
0x31: {  	[sflag:s6] =	ssyncset.done @!p0 $0x0  }
0x32: {  	[sflag:s6] =	ssyncadd.s32 @!p0 $0xFFFFFF80;
	s6 =	simm.s32 $0x0  }
0x33: {  	v2 =	vld [tilespmem:s6+$0x10000]  }
0x34: {  	v3 =	vld [tilespmem:s6+$0x10080];
	_ =	sdelay $0x1  }
0x35: {  	v4 =	vmov s4  }
0x36: {  	vm0 =	vlt.u32 v4, v0  }
0x37: {  	v4 =	vsel vm0, $0x3F800000, v1;
	v2 =	vshll.u32 v2, $0x9  }
0x38: {  	s9 =	sadd.s32 $0x10, s4;
	s7 =	simm.s32 $0x10;
	[tilespmem:s6+$0x10780] =	vst v4;
	v3 =	vadd.s32 v3, v2  }
0x39: {  	v4 =	vmov s9;
	v2 =	vld [tilespmem:s7+$0x10000];
	vm1 =	vgt.s32 v3, $0x0  }
0x3a: {  	vm15 =	vlt.u32 v4, v0;
	v5 =	vnsel vm1, $0x0, v3;
	v3 =	vld [tilespmem:s7+$0x10080]  }
0x3b: {  	v4 =	vsel vm15, $0x3F800000, v1  }
0x3c: {  	s8 =	simm.s32 $0x80;
	s9 =	sadd.s32 $0x10, s9;
	[tilespmem:s7+$0x10780] =	vst v4;
	v4 =	vmin.u32 v5, $0x3FFFF  }
.LBB2_2:
0x3d: {  	v5 =	vmov s9;
	[tilespmem:s6+$0x10100] =	vst v4;
	v6 =	vor.u32 $0x40000, v4;
	p1 =	sne.s32 s8, $0x1C0  }
.Ltmp0:
0x3e: {  	s10 =	sshra.s32 s8, $0x2;
	s8 =	sadd.s32 $0x40, s8;
	vm0 =	vlt.u32 v5, v0;
	v5 =	vshll.u32 v2, $0x9;
	[tilespmem:s6+$0x10200] =	vst v6;
	(pc) =	sbr.rel @p1 .LBB2_2-.Ltmp0, $4  }
0x3f: {  	v2 =	vld [tilespmem:s10+$0x10000];
	v6 =	vsel vm0, $0x3F800000, v1;
	v5 =	vadd.s32 v3, v5;
	[tilespmem:s6+$0x10180] =	vst v4;
	s6 =	smov.u32 s7;
	s7 =	smov.u32 s10  }
0x40: {  	v3 =	vld [tilespmem:s7+$0x10080];
	[tilespmem:s7+$0x10780] =	vst v6;
	vm0 =	vgt.s32 v5, $0x0  }
0x41: {  	v4 =	vnsel vm0, $0x0, v5  }
0x42: {  	s9 =	sadd.s32 $0x10, s9;
	v4 =	vmin.u32 v4, $0x3FFFF  }
0x43: {  	_ = 	snop  }
0x44: {  	v2 =	vshll.u32 v2, $0x9  }
0x45: {  	v2 =	vadd.s32 v3, v2  }
0x46: {  	[tilespmem:s6+$0x10100] =	vst v4;
	vm0 =	vgt.s32 v2, $0x0  }
0x47: {  	[tilespmem:s6+$0x10180] =	vst v4;
	v3 =	vor.u32 $0x40000, v4;
	v2 =	vnsel vm0, $0x0, v2  }
0x48: {  	[tilespmem:s6+$0x10200] =	vst v3;
	v2 =	vmin.u32 v2, $0x3FFFF  }
0x49: {  	[tilespmem:s7+$0x10100] =	vst v2  }
0x4a: {  	v3 =	vor.u32 $0x40000, v2;
	[tilespmem:s7+$0x10180] =	vst v2  }
0x4b: {  	[tilespmem:s7+$0x10200] =	vst v3  }
0x4c: {  	_ =	swait.ge [sflag:s24], $0x400  }
0x4d: {  	[sflag:s24] =	ssyncset.done $0x0  }
0x4e: {  	s10 =	simm.s32 $0x0;
	[sflag:s24] =	ssyncadd.s32 $0xFFFFFC00  }
0x4f: {  	s9 =	simm.s32 $0x0;
	s7 =	simm.s32 $0x0;
	_ =	swait.ge [sflag:s25], $0x4000  }
0x50: {  	s14 =	sand.u32 $0x3000, s7;
	s8 =	sand.u32 $0x380, s7;
	[sflag:s25] =	ssyncset.done $0x0  }
0x51: {  	s6 =	sor.u32 s8, s14;
	s8 =	simm.s32 $0x800;
	[sflag:s25] =	ssyncadd.s32 $0xFFFFC000  }
.LBB2_4:
0x52: {  	p1 =	sne.s32 s8, $0xF800;
	s10 =	sadd.s32 s10, s20;
	s11 =	sor.u32 $0x8000, s6  }
0x53: {  	[spmem:s10] =	stream.linear.scatter [tilespmem:s11], [sflag:$0x2], $0x80, $0x38;
	[tilespmem:$0x10880] =	vst v63  }
0x54: {  	s7 =	sadd.s32 $0x80, s7;
	s9 =	sadd.s32 $0x200, s9  }
0x55: {  	s11 =	sor.u32 $0x8400, s6;
	s12 =	sadd.s32 $0x80, s10;
	s13 =	sadd.s32 $0x100, s10  }
0x56: {  	[spmem:s12] =	stream.linear.scatter [tilespmem:s11], [sflag:$0x2], $0x80, $0x38;
	[tilespmem:$0x10880] =	vst v63  }
.Ltmp1:
0x57: {  	s11 =	sand.u32 $0x3000, s9;
	s12 =	sor.u32 $0x8800, s6;
	(pc) =	sbr.rel @p1 .LBB2_4-.Ltmp1, $4  }
0x58: {  	[spmem:s13] =	stream.linear.scatter [tilespmem:s12], [sflag:$0x2], $0x80, $0x38;
	[tilespmem:$0x10880] =	vst v63  }
0x59: {  	s10 =	sadd.s32 $0x180, s10;
	s6 =	sor.u32 $0x8C00, s6;
	s12 =	sand.u32 $0x380, s7  }
0x5a: {  	[spmem:s10] =	stream.linear.scatter [tilespmem:s6], [sflag:$0x2], $0x80, $0x38;
	[tilespmem:$0x10880] =	vst v63  }
0x5b: {  	s10 =	sshra.s32 s8, $0x2;
	s6 =	sor.u32 s12, s11;
	s8 =	sadd.s32 $0x800, s8  }
0x5c: {  	s7 =	sadd.s32 s10, s20;
	s8 =	sor.u32 $0x8000, s6  }
0x5d: {  	[spmem:s7] =	stream.linear.scatter [tilespmem:s8], [sflag:$0x2], $0x80, $0x38;
	[tilespmem:$0x10880] =	vst v63  }
0x5e: {  	s14 =	sor.u32 $0x8400, s6;
	s9 =	sadd.s32 $0x80, s7  }
0x5f: {  	[spmem:s9] =	stream.linear.scatter [tilespmem:s14], [sflag:$0x2], $0x80, $0x38;
	[tilespmem:$0x10880] =	vst v63  }
0x60: {  	s10 =	sor.u32 $0x8800, s6;
	s11 =	sadd.s32 $0x100, s7  }
0x61: {  	[spmem:s11] =	stream.linear.scatter [tilespmem:s10], [sflag:$0x2], $0x80, $0x38;
	[tilespmem:$0x10880] =	vst v63  }
0x62: {  	s12 =	sor.u32 $0x8C00, s6;
	s7 =	sadd.s32 $0x180, s7;
	s8 =	simm.s32 $0x0  }
0x63: {  	[spmem:s7] =	stream.linear.scatter [tilespmem:s12], [sflag:$0x2], $0x80, $0x38;
	[tilespmem:$0x10880] =	vst v63  }
0x64: {  	s6 =	sadd.s32 $0x0, s20;
	s13 =	sand.u32 $0x3000, s8;
	_ =	swait.ge [sflag:s25], $0x4000  }
0x65: {  	s14 =	sand.u32 $0x380, s8;
	s9 =	simm.s32 $0x800;
	[sflag:s25] =	ssyncset.done $0x0  }
0x66: {  	s10 =	simm.s32 $0x0;
	s7 =	sor.u32 s14, s13;
	[sflag:s25] =	ssyncadd.s32 $0xFFFFC000  }
.LBB2_6:
0x67: {  	p1 =	sne.s32 s9, $0xF800;
	s11 =	sadd.s32 $0x4000, s6;
	s12 =	sor.u32 $0xC000, s7  }
0x68: {  	[spmem:s11] =	stream.linear.scatter [tilespmem:s12], [sflag:$0x2], $0x80, $0x38;
	[tilespmem:$0x10880] =	vst v63  }
0x69: {  	s8 =	sadd.s32 $0x80, s8;
	s10 =	sadd.s32 $0x200, s10;
	s13 =	sadd.s32 $0x4080, s6  }
0x6a: {  	s14 =	sadd.s32 $0x4100, s6;
	s11 =	sshra.s32 s9, $0x2;
	s12 =	sor.u32 $0xC400, s7  }
0x6b: {  	[spmem:s13] =	stream.linear.scatter [tilespmem:s12], [sflag:$0x2], $0x80, $0x38;
	[tilespmem:$0x10880] =	vst v63  }
.Ltmp2:
0x6c: {  	s12 =	sand.u32 $0x3000, s10;
	s13 =	sor.u32 $0xC800, s7;
	(pc) =	sbr.rel @p1 .LBB2_6-.Ltmp2, $4  }
0x6d: {  	[spmem:s14] =	stream.linear.scatter [tilespmem:s13], [sflag:$0x2], $0x80, $0x38;
	[tilespmem:$0x10880] =	vst v63  }
0x6e: {  	s6 =	sadd.s32 $0x4180, s6;
	s7 =	sor.u32 $0xCC00, s7;
	s13 =	sand.u32 $0x380, s8  }
0x6f: {  	[spmem:s6] =	stream.linear.scatter [tilespmem:s7], [sflag:$0x2], $0x80, $0x38;
	[tilespmem:$0x10880] =	vst v63  }
0x70: {  	s9 =	sadd.s32 $0x800, s9;
	s6 =	sadd.s32 s11, s20;
	s7 =	sor.u32 s13, s12  }
0x71: {  	s8 =	sadd.s32 $0x4000, s6;
	s9 =	sor.u32 $0xC000, s7  }
0x72: {  	[spmem:s8] =	stream.linear.scatter [tilespmem:s9], [sflag:$0x2], $0x80, $0x38;
	[tilespmem:$0x10880] =	vst v63  }
0x73: {  	s11 =	sor.u32 $0xC400, s7;
	s12 =	sadd.s32 $0x4080, s6  }
0x74: {  	[spmem:s12] =	stream.linear.scatter [tilespmem:s11], [sflag:$0x2], $0x80, $0x38;
	[tilespmem:$0x10880] =	vst v63  }
0x75: {  	s13 =	sor.u32 $0xC800, s7;
	s14 =	sadd.s32 $0x4100, s6  }
0x76: {  	[spmem:s14] =	stream.linear.scatter [tilespmem:s13], [sflag:$0x2], $0x80, $0x38;
	[tilespmem:$0x10880] =	vst v63  }
0x77: {  	s10 =	sadd.s32 $0x4180, s6;
	s9 =	sor.u32 $0xCC00, s7  }
0x78: {  	[spmem:s10] =	stream.linear.scatter [tilespmem:s9], [sflag:$0x2], $0x80, $0x38;
	[tilespmem:$0x10880] =	vst v63  }
0x79: {  	_ =	swait.ge [sflag:s26], $0x4000  }
0x7a: {  	[sflag:s26] =	ssyncset.done $0x0  }
0x7b: {  	[sflag:s26] =	ssyncadd.s32 $0xFFFFC000  }
0x7c: {  	_ =	swait.ge [sflag:s26], $0x4000  }
0x7d: {  	[sflag:s26] =	ssyncset.done $0x0  }
0x7e: {  	s6 =	simm.s32 $0x0;
	s11 =	rddreg [dreg:$0xc];
	[sflag:s26] =	ssyncadd.s32 $0xFFFFC000  }
0x7f: {  	[tilespmem:s21], [sflag:$0x1] =	stream.linear.gather [hbm4b:s11+s6], $0x4000, $0x38;
	[tilespmem:$0x10880] =	vst v63  }
0x80: {  	s12 =	rddreg [dreg:$0xd]  }
0x81: {  	[tilespmem:s22], [sflag:$0x1] =	stream.linear.gather [hbm4b:s12+s6], $0x4000, $0x38;
	[tilespmem:$0x10880] =	vst v63  }
0x82: {  	[bflag:$0x0] =	sbarrier.arrive $0xFFFF  }
0x83: {  	[tilespmem:s30], [sflag:$0x3] =	stream.indirect.gather [spmem:s1], $0x1, s29, s28, $0xb8;
	[tilespmem:$0x10880] =	vst v63  }
0x84: {  	_ = 	snop  }
0x85: {  	[tilespmem:s0], [sflag:$0x3] =	stream.indirect.gather [spmem:s1], $0x1, s31, s28, $0xb8;
	[tilespmem:$0x10880] =	vst v63  }
0x86: {  	_ =	swait.ge [sflag:s24], $0x80  }
0x87: {  	[sflag:s24] =	ssyncset.done $0x0  }
0x88: {  	[sflag:s24] =	ssyncadd.s32 $0xFFFFFF80  }
0x89: {  	_ =	swait.ge [sflag:s24], $0x80  }
0x8a: {  	[sflag:s24] =	ssyncset.done $0x0  }
0x8b: {  	[sflag:s24] =	ssyncadd.s32 $0xFFFFFF80  }
0x8c: {  	v3 =	vld [tilespmem:$0x10280]  }
0x8d: {  	v5 =	vld [tilespmem:$0x10380]  }
0x8e: {  	v4 =	vld [tilespmem:$0x10780]  }
0x8f: {  	v7 =	vld [tilespmem:$0x10290]  }
0x90: {  	v14 =	vld [tilespmem:$0x10390]  }
0x91: {  	v13 =	vld [tilespmem:$0x10790]  }
0x92: {  	v15 =	vld [tilespmem:$0x102A0]  }
0x93: {  	v16 =	vld [tilespmem:$0x103A0]  }
0x94: {  	v6 =	vld [tilespmem:$0x107A0]  }
0x95: {  	v17 =	vld [tilespmem:$0x102B0]  }
0x96: {  	v18 =	vld [tilespmem:$0x103B0]  }
0x97: {  	v8 =	vld [tilespmem:$0x107B0]  }
0x98: {  	v25 =	vld [tilespmem:$0x102C0]  }
0x99: {  	v26 =	vld [tilespmem:$0x103C0]  }
0x9a: {  	v12 =	vld [tilespmem:$0x107C0]  }
0x9b: {  	v27 =	vld [tilespmem:$0x102D0]  }
0x9c: {  	v29 =	vld [tilespmem:$0x103D0]  }
0x9d: {  	v9 =	vld [tilespmem:$0x107D0]  }
0x9e: {  	v30 =	vld [tilespmem:$0x102E0]  }
0x9f: {  	v31 =	vld [tilespmem:$0x103E0]  }
0xa0: {  	v11 =	vld [tilespmem:$0x107E0]  }
0xa1: {  	v32 =	vld [tilespmem:$0x102F0]  }
0xa2: {  	v33 =	vld [tilespmem:$0x103F0]  }
0xa3: {  	v10 =	vld [tilespmem:$0x107F0];
	v3 =	vsub.f32 v3, v5  }
0xa4: {  	v2 =	vld [tilespmem:$0x10300]  }
0xa5: {  	v28 =	vld [tilespmem:$0x10400];
	v5 =	vsub.f32 v7, v14;
	v3 =	vand.u32 $0x7FFFFFFF, v3  }
0xa6: {  	v20 =	vld [tilespmem:$0x10310];
	v3 =	vmul.f32 v3, v4  }
0xa7: {  	v21 =	vld [tilespmem:$0x10410];
	v7 =	vsub.f32 v15, v16;
	v5 =	vand.u32 $0x7FFFFFFF, v5  }
0xa8: {  	v19 =	vld [tilespmem:$0x10320];
	v5 =	vmul.f32 v5, v13;
	v3 =	vadd.f32 $0.0e+00, v3  }
0xa9: {  	v22 =	vld [tilespmem:$0x10420];
	v16 =	vsub.f32 v17, v18;
	v7 =	vand.u32 $0x7FFFFFFF, v7  }
0xaa: {  	v23 =	vld [tilespmem:$0x10430];
	v3 =	vadd.f32 v5, v3;
	v5 =	vmul.f32 v7, v6  }
0xab: {  	v24 =	vld [tilespmem:$0x10440];
	v17 =	vsub.f32 v25, v26;
	v7 =	vand.u32 $0x7FFFFFFF, v16  }
0xac: {  	v14 =	vld [tilespmem:$0x10330];
	v3 =	vadd.f32 v5, v3;
	v5 =	vmul.f32 v7, v8  }
0xad: {  	v15 =	vld [tilespmem:$0x10340];
	v18 =	vsub.f32 v27, v29;
	v7 =	vand.u32 $0x7FFFFFFF, v17  }
0xae: {  	v25 =	vld [tilespmem:$0x10450];
	v3 =	vadd.f32 v5, v3;
	v5 =	vmul.f32 v7, v12  }
0xaf: {  	v26 =	vld [tilespmem:$0x10460];
	v29 =	vsub.f32 v30, v31;
	v7 =	vand.u32 $0x7FFFFFFF, v18  }
0xb0: {  	v27 =	vld [tilespmem:$0x10470];
	v3 =	vadd.f32 v5, v3;
	v5 =	vmul.f32 v7, v9  }
0xb1: {  	v29 =	vand.u32 $0x7FFFFFFF, v29;
	v16 =	vld [tilespmem:$0x10350];
	v7 =	vsub.f32 v32, v33  }
0xb2: {  	v17 =	vld [tilespmem:$0x10360];
	v3 =	vadd.f32 v5, v3;
	v5 =	vmul.f32 v29, v11  }
0xb3: {  	v18 =	vld [tilespmem:$0x10370];
	[bflag:$0x0] =	sbarrier.arrive $0xFFFF;
	v7 =	vand.u32 $0x7FFFFFFF, v7  }
0xb4: {  	s13 =	sand.u32 $0x3000, s6;
	s14 =	sand.u32 $0x380, s6;
	_ =	swait.ge [sflag:s25], $0x4000;
	v3 =	vadd.f32 v5, v3;
	v5 =	vmul.f32 v7, v10  }
0xb5: {  	s8 =	simm.s32 $0x800;
	s7 =	sor.u32 s14, s13;
	[sflag:s25] =	ssyncset.done $0x0  }
0xb6: {  	s10 =	simm.s32 $0x0;
	s9 =	simm.s32 $0x0;
	[sflag:s25] =	ssyncadd.s32 $0xFFFFC000;
	v29 =	vadd.f32 v5, v3  }
.LBB2_8:
0xb7: {  	p1 =	sne.s32 s8, $0xF800;
	s10 =	sadd.s32 s10, s20;
	s11 =	sor.u32 $0x8000, s7  }
0xb8: {  	[spmem:s10] =	stream.linear.scatter [tilespmem:s11], [sflag:$0x2], $0x80, $0x38;
	[tilespmem:$0x10880] =	vst v63  }
0xb9: {  	s6 =	sadd.s32 $0x80, s6;
	s9 =	sadd.s32 $0x200, s9  }
0xba: {  	s11 =	sor.u32 $0x8400, s7;
	s12 =	sadd.s32 $0x80, s10;
	s13 =	sadd.s32 $0x100, s10  }
0xbb: {  	[spmem:s12] =	stream.linear.scatter [tilespmem:s11], [sflag:$0x2], $0x80, $0x38;
	[tilespmem:$0x10880] =	vst v63  }
.Ltmp3:
0xbc: {  	s11 =	sand.u32 $0x3000, s9;
	s12 =	sor.u32 $0x8800, s7;
	(pc) =	sbr.rel @p1 .LBB2_8-.Ltmp3, $4  }
0xbd: {  	[spmem:s13] =	stream.linear.scatter [tilespmem:s12], [sflag:$0x2], $0x80, $0x38;
	[tilespmem:$0x10880] =	vst v63  }
0xbe: {  	s10 =	sadd.s32 $0x180, s10;
	s7 =	sor.u32 $0x8C00, s7;
	s12 =	sand.u32 $0x380, s6  }
0xbf: {  	[spmem:s10] =	stream.linear.scatter [tilespmem:s7], [sflag:$0x2], $0x80, $0x38;
	[tilespmem:$0x10880] =	vst v63  }
0xc0: {  	s10 =	sshra.s32 s8, $0x2;
	s7 =	sor.u32 s12, s11;
	s8 =	sadd.s32 $0x800, s8  }
0xc1: {  	s6 =	sadd.s32 s10, s20;
	s8 =	sor.u32 $0x8000, s7  }
0xc2: {  	[spmem:s6] =	stream.linear.scatter [tilespmem:s8], [sflag:$0x2], $0x80, $0x38;
	[tilespmem:$0x10880] =	vst v63  }
0xc3: {  	s14 =	sor.u32 $0x8400, s7;
	s9 =	sadd.s32 $0x80, s6  }
0xc4: {  	[spmem:s9] =	stream.linear.scatter [tilespmem:s14], [sflag:$0x2], $0x80, $0x38;
	[tilespmem:$0x10880] =	vst v63  }
0xc5: {  	s10 =	sor.u32 $0x8800, s7;
	s11 =	sadd.s32 $0x100, s6  }
0xc6: {  	[spmem:s11] =	stream.linear.scatter [tilespmem:s10], [sflag:$0x2], $0x80, $0x38;
	[tilespmem:$0x10880] =	vst v63  }
0xc7: {  	s12 =	sor.u32 $0x8C00, s7;
	s6 =	sadd.s32 $0x180, s6;
	s8 =	simm.s32 $0x0  }
0xc8: {  	[spmem:s6] =	stream.linear.scatter [tilespmem:s12], [sflag:$0x2], $0x80, $0x38;
	[tilespmem:$0x10880] =	vst v63  }
0xc9: {  	s13 =	sand.u32 $0x3000, s8;
	s14 =	sand.u32 $0x380, s8;
	_ =	swait.ge [sflag:s25], $0x4000  }
0xca: {  	s9 =	simm.s32 $0x800;
	s7 =	sor.u32 s14, s13;
	[sflag:s25] =	ssyncset.done $0x0  }
0xcb: {  	s10 =	simm.s32 $0x0;
	s6 =	sadd.s32 $0x0, s20;
	[sflag:s25] =	ssyncadd.s32 $0xFFFFC000  }
.LBB2_10:
0xcc: {  	p1 =	sne.s32 s9, $0xF800;
	s11 =	sadd.s32 $0x4000, s6;
	s12 =	sor.u32 $0xC000, s7  }
0xcd: {  	[spmem:s11] =	stream.linear.scatter [tilespmem:s12], [sflag:$0x2], $0x80, $0x38;
	[tilespmem:$0x10880] =	vst v63  }
0xce: {  	s8 =	sadd.s32 $0x80, s8;
	s10 =	sadd.s32 $0x200, s10;
	s13 =	sadd.s32 $0x4080, s6  }
0xcf: {  	s14 =	sadd.s32 $0x4100, s6;
	s11 =	sshra.s32 s9, $0x2;
	s12 =	sor.u32 $0xC400, s7  }
0xd0: {  	[spmem:s13] =	stream.linear.scatter [tilespmem:s12], [sflag:$0x2], $0x80, $0x38;
	[tilespmem:$0x10880] =	vst v63  }
.Ltmp4:
0xd1: {  	s12 =	sand.u32 $0x3000, s10;
	s13 =	sor.u32 $0xC800, s7;
	(pc) =	sbr.rel @p1 .LBB2_10-.Ltmp4, $4  }
0xd2: {  	[spmem:s14] =	stream.linear.scatter [tilespmem:s13], [sflag:$0x2], $0x80, $0x38;
	[tilespmem:$0x10880] =	vst v63  }
0xd3: {  	s6 =	sadd.s32 $0x4180, s6;
	s7 =	sor.u32 $0xCC00, s7;
	s13 =	sand.u32 $0x380, s8  }
0xd4: {  	[spmem:s6] =	stream.linear.scatter [tilespmem:s7], [sflag:$0x2], $0x80, $0x38;
	[tilespmem:$0x10880] =	vst v63  }
0xd5: {  	s9 =	sadd.s32 $0x800, s9;
	s6 =	sadd.s32 s11, s20;
	s7 =	sor.u32 s13, s12  }
0xd6: {  	s8 =	sadd.s32 $0x4000, s6;
	s9 =	sor.u32 $0xC000, s7  }
0xd7: {  	[spmem:s8] =	stream.linear.scatter [tilespmem:s9], [sflag:$0x2], $0x80, $0x38;
	[tilespmem:$0x10880] =	vst v63  }
0xd8: {  	s11 =	sor.u32 $0xC400, s7;
	s12 =	sadd.s32 $0x4080, s6  }
0xd9: {  	[spmem:s12] =	stream.linear.scatter [tilespmem:s11], [sflag:$0x2], $0x80, $0x38;
	[tilespmem:$0x10880] =	vst v63  }
0xda: {  	s13 =	sor.u32 $0xC800, s7;
	s14 =	sadd.s32 $0x4100, s6  }
0xdb: {  	[spmem:s14] =	stream.linear.scatter [tilespmem:s13], [sflag:$0x2], $0x80, $0x38;
	[tilespmem:$0x10880] =	vst v63  }
0xdc: {  	s10 =	sor.u32 $0xCC00, s7;
	s11 =	sadd.s32 $0x4180, s6  }
0xdd: {  	[spmem:s11] =	stream.linear.scatter [tilespmem:s10], [sflag:$0x2], $0x80, $0x38;
	[tilespmem:$0x10880] =	vst v63  }
0xde: {  	_ =	swait.ge [sflag:s26], $0x4000  }
0xdf: {  	[sflag:s26] =	ssyncset.done $0x0  }
0xe0: {  	[sflag:s26] =	ssyncadd.s32 $0xFFFFC000  }
0xe1: {  	_ =	swait.ge [sflag:s26], $0x4000  }
0xe2: {  	[sflag:s26] =	ssyncset.done $0x0  }
0xe3: {  	s6 =	simm.s32 $0x0;
	s12 =	rddreg [dreg:$0xe];
	[sflag:s26] =	ssyncadd.s32 $0xFFFFC000  }
0xe4: {  	[tilespmem:s21], [sflag:$0x1] =	stream.linear.gather [hbm4b:s12+s6], $0x4000, $0x38;
	[tilespmem:$0x10880] =	vst v63  }
0xe5: {  	_ = 	snop  }
0xe6: {  	[tilespmem:s22], [sflag:$0x1] =	stream.linear.gather [hbm4b:s15+s6], $0x4000, $0x38;
	[tilespmem:$0x10880] =	vst v63  }
0xe7: {  	[bflag:$0x0] =	sbarrier.arrive $0xFFFF  }
0xe8: {  	[tilespmem:s30], [sflag:$0x3] =	stream.indirect.gather [spmem:s1], $0x1, s29, s28, $0xb8;
	[tilespmem:$0x10880] =	vst v63  }
0xe9: {  	_ = 	snop  }
0xea: {  	[tilespmem:s0], [sflag:$0x3] =	stream.indirect.gather [spmem:s1], $0x1, s31, s28, $0xb8;
	[tilespmem:$0x10880] =	vst v63  }
0xeb: {  	_ =	swait.ge [sflag:s24], $0x80  }
0xec: {  	[sflag:s24] =	ssyncset.done $0x0  }
0xed: {  	[sflag:s24] =	ssyncadd.s32 $0xFFFFFF80  }
0xee: {  	_ =	swait.ge [sflag:s24], $0x80  }
0xef: {  	[sflag:s24] =	ssyncset.done $0x0  }
0xf0: {  	[sflag:s24] =	ssyncadd.s32 $0xFFFFFF80  }
0xf1: {  	v30 =	vld [tilespmem:$0x10280]  }
0xf2: {  	v31 =	vld [tilespmem:$0x10480]  }
0xf3: {  	v7 =	vld [tilespmem:$0x10780]  }
0xf4: {  	v32 =	vld [tilespmem:$0x10290]  }
0xf5: {  	v33 =	vld [tilespmem:$0x10490]  }
0xf6: {  	v5 =	vld [tilespmem:$0x10790]  }
0xf7: {  	v34 =	vld [tilespmem:$0x102A0]  }
0xf8: {  	v28 =	vsub.f32 v2, v28;
	v35 =	vld [tilespmem:$0x104A0]  }
0xf9: {  	v3 =	vld [tilespmem:$0x107A0]  }
0xfa: {  	v20 =	vsub.f32 v20, v21;
	v28 =	vand.u32 $0x7FFFFFFF, v28;
	v36 =	vld [tilespmem:$0x102B0]  }
0xfb: {  	v28 =	vmul.f32 v28, v4;
	v37 =	vld [tilespmem:$0x104B0]  }
0xfc: {  	v19 =	vsub.f32 v19, v22;
	v20 =	vand.u32 $0x7FFFFFFF, v20;
	v2 =	vld [tilespmem:$0x107B0]  }
0xfd: {  	v13 =	vmul.f32 v20, v13;
	v22 =	vadd.f32 v28, v29;
	v21 =	vld [tilespmem:$0x102C0]  }
0xfe: {  	v14 =	vsub.f32 v14, v23;
	v19 =	vand.u32 $0x7FFFFFFF, v19;
	v38 =	vld [tilespmem:$0x104C0]  }
0xff: {  	v19 =	vmul.f32 v19, v6;
	v13 =	vadd.f32 v13, v22;
	v4 =	vld [tilespmem:$0x107C0]  }
0x100: {  	v15 =	vsub.f32 v15, v24;
	v14 =	vand.u32 $0x7FFFFFFF, v14;
	v28 =	vld [tilespmem:$0x102D0]  }
0x101: {  	v14 =	vmul.f32 v14, v8;
	v13 =	vadd.f32 v19, v13;
	v29 =	vld [tilespmem:$0x104D0]  }
0x102: {  	v16 =	vsub.f32 v16, v25;
	v15 =	vand.u32 $0x7FFFFFFF, v15;
	v6 =	vld [tilespmem:$0x107D0]  }
0x103: {  	v12 =	vmul.f32 v15, v12;
	v13 =	vadd.f32 v14, v13;
	v22 =	vld [tilespmem:$0x102E0]  }
0x104: {  	v15 =	vsub.f32 v17, v26;
	v14 =	vand.u32 $0x7FFFFFFF, v16;
	v39 =	vld [tilespmem:$0x104E0]  }
0x105: {  	v12 =	vadd.f32 v12, v13;
	v13 =	vmul.f32 v14, v9;
	v8 =	vld [tilespmem:$0x107E0]  }
0x106: {  	v17 =	vsub.f32 v18, v27;
	v15 =	vand.u32 $0x7FFFFFFF, v15;
	v40 =	vld [tilespmem:$0x102F0]  }
0x107: {  	v11 =	vmul.f32 v15, v11;
	v12 =	vadd.f32 v13, v12;
	v41 =	vld [tilespmem:$0x104F0]  }
0x108: {  	v13 =	vand.u32 $0x7FFFFFFF, v17;
	v9 =	vld [tilespmem:$0x107F0];
	v17 =	vsub.f32 v30, v31  }
0x109: {  	v10 =	vmul.f32 v13, v10;
	v11 =	vadd.f32 v11, v12;
	v14 =	vld [tilespmem:$0x10300]  }
0x10a: {  	v16 =	vld [tilespmem:$0x10500];
	v13 =	vsub.f32 v32, v33;
	v12 =	vand.u32 $0x7FFFFFFF, v17  }
0x10b: {  	v10 =	vadd.f32 v10, v11;
	v15 =	vld [tilespmem:$0x10310];
	v11 =	vmul.f32 v12, v7  }
0x10c: {  	v23 =	vld [tilespmem:$0x10510];
	v12 =	vand.u32 $0x7FFFFFFF, v13;
	v13 =	vsub.f32 v34, v35  }
0x10d: {  	v24 =	vld [tilespmem:$0x10520];
	v10 =	vadd.f32 v11, v10;
	v11 =	vmul.f32 v12, v5  }
0x10e: {  	v18 =	vld [tilespmem:$0x10330];
	v12 =	vand.u32 $0x7FFFFFFF, v13;
	v13 =	vsub.f32 v36, v37  }
0x10f: {  	v25 =	vld [tilespmem:$0x10530];
	v10 =	vadd.f32 v11, v10;
	v11 =	vmul.f32 v12, v3  }
0x110: {  	v19 =	vld [tilespmem:$0x10340];
	v12 =	vand.u32 $0x7FFFFFFF, v13;
	v13 =	vsub.f32 v21, v38  }
0x111: {  	v26 =	vld [tilespmem:$0x10540];
	v10 =	vadd.f32 v11, v10;
	v11 =	vmul.f32 v12, v2  }
0x112: {  	v20 =	vld [tilespmem:$0x10350];
	v12 =	vand.u32 $0x7FFFFFFF, v13;
	v13 =	vsub.f32 v28, v29  }
0x113: {  	v27 =	vld [tilespmem:$0x10550];
	v10 =	vadd.f32 v11, v10;
	v11 =	vmul.f32 v12, v4  }
0x114: {  	v17 =	vld [tilespmem:$0x10320];
	v12 =	vand.u32 $0x7FFFFFFF, v13;
	v13 =	vsub.f32 v22, v39  }
0x115: {  	v21 =	vld [tilespmem:$0x10360];
	v10 =	vadd.f32 v11, v10;
	v11 =	vmul.f32 v12, v6  }
0x116: {  	v28 =	vld [tilespmem:$0x10560];
	v12 =	vsub.f32 v40, v41;
	v13 =	vand.u32 $0x7FFFFFFF, v13  }
0x117: {  	v29 =	vld [tilespmem:$0x10570];
	v10 =	vadd.f32 v11, v10;
	v11 =	vmul.f32 v13, v8  }
0x118: {  	v22 =	vld [tilespmem:$0x10370];
	[bflag:$0x0] =	sbarrier.arrive $0xFFFF;
	v12 =	vand.u32 $0x7FFFFFFF, v12  }
0x119: {  	s8 =	simm.s32 $0x800;
	s9 =	simm.s32 $0x0;
	_ =	swait.ge [sflag:s25], $0x4000;
	v10 =	vadd.f32 v11, v10;
	v11 =	vmul.f32 v12, v9  }
0x11a: {  	s13 =	sand.u32 $0x3000, s6;
	s14 =	sand.u32 $0x380, s6;
	[sflag:s25] =	ssyncset.done $0x0  }
0x11b: {  	s7 =	sor.u32 s14, s13;
	s10 =	simm.s32 $0x0;
	[sflag:s25] =	ssyncadd.s32 $0xFFFFC000;
	v30 =	vadd.f32 v11, v10  }
.LBB2_12:
0x11c: {  	p1 =	sne.s32 s8, $0xF800;
	s10 =	sadd.s32 s10, s20;
	s11 =	sor.u32 $0x8000, s7  }
0x11d: {  	[spmem:s10] =	stream.linear.scatter [tilespmem:s11], [sflag:$0x2], $0x80, $0x38;
	[tilespmem:$0x10880] =	vst v63  }
0x11e: {  	s6 =	sadd.s32 $0x80, s6;
	s9 =	sadd.s32 $0x200, s9  }
0x11f: {  	s11 =	sor.u32 $0x8400, s7;
	s12 =	sadd.s32 $0x80, s10;
	s13 =	sadd.s32 $0x100, s10  }
0x120: {  	[spmem:s12] =	stream.linear.scatter [tilespmem:s11], [sflag:$0x2], $0x80, $0x38;
	[tilespmem:$0x10880] =	vst v63  }
.Ltmp5:
0x121: {  	s11 =	sand.u32 $0x3000, s9;
	s12 =	sor.u32 $0x8800, s7;
	(pc) =	sbr.rel @p1 .LBB2_12-.Ltmp5, $4  }
0x122: {  	[spmem:s13] =	stream.linear.scatter [tilespmem:s12], [sflag:$0x2], $0x80, $0x38;
	[tilespmem:$0x10880] =	vst v63  }
0x123: {  	s10 =	sadd.s32 $0x180, s10;
	s7 =	sor.u32 $0x8C00, s7;
	s12 =	sand.u32 $0x380, s6  }
0x124: {  	[spmem:s10] =	stream.linear.scatter [tilespmem:s7], [sflag:$0x2], $0x80, $0x38;
	[tilespmem:$0x10880] =	vst v63  }
0x125: {  	s10 =	sshra.s32 s8, $0x2;
	s7 =	sor.u32 s12, s11;
	s8 =	sadd.s32 $0x800, s8  }
0x126: {  	s6 =	sadd.s32 s10, s20;
	s8 =	sor.u32 $0x8000, s7  }
0x127: {  	[spmem:s6] =	stream.linear.scatter [tilespmem:s8], [sflag:$0x2], $0x80, $0x38;
	[tilespmem:$0x10880] =	vst v63  }
0x128: {  	s14 =	sor.u32 $0x8400, s7;
	s9 =	sadd.s32 $0x80, s6  }
0x129: {  	[spmem:s9] =	stream.linear.scatter [tilespmem:s14], [sflag:$0x2], $0x80, $0x38;
	[tilespmem:$0x10880] =	vst v63  }
0x12a: {  	s10 =	sor.u32 $0x8800, s7;
	s11 =	sadd.s32 $0x100, s6  }
0x12b: {  	[spmem:s11] =	stream.linear.scatter [tilespmem:s10], [sflag:$0x2], $0x80, $0x38;
	[tilespmem:$0x10880] =	vst v63  }
0x12c: {  	s12 =	sor.u32 $0x8C00, s7;
	s6 =	sadd.s32 $0x180, s6;
	s8 =	simm.s32 $0x0  }
0x12d: {  	[spmem:s6] =	stream.linear.scatter [tilespmem:s12], [sflag:$0x2], $0x80, $0x38;
	[tilespmem:$0x10880] =	vst v63  }
0x12e: {  	s13 =	sand.u32 $0x3000, s8;
	s14 =	sand.u32 $0x380, s8;
	_ =	swait.ge [sflag:s25], $0x4000  }
0x12f: {  	s9 =	simm.s32 $0x800;
	s7 =	sor.u32 s14, s13;
	[sflag:s25] =	ssyncset.done $0x0  }
0x130: {  	s10 =	simm.s32 $0x0;
	s6 =	sadd.s32 $0x0, s20;
	[sflag:s25] =	ssyncadd.s32 $0xFFFFC000  }
.LBB2_14:
0x131: {  	p1 =	sne.s32 s9, $0xF800;
	s11 =	sadd.s32 $0x4000, s6;
	s12 =	sor.u32 $0xC000, s7  }
0x132: {  	[spmem:s11] =	stream.linear.scatter [tilespmem:s12], [sflag:$0x2], $0x80, $0x38;
	[tilespmem:$0x10880] =	vst v63  }
0x133: {  	s8 =	sadd.s32 $0x80, s8;
	s10 =	sadd.s32 $0x200, s10;
	s13 =	sadd.s32 $0x4080, s6  }
0x134: {  	s14 =	sadd.s32 $0x4100, s6;
	s11 =	sshra.s32 s9, $0x2;
	s12 =	sor.u32 $0xC400, s7  }
0x135: {  	[spmem:s13] =	stream.linear.scatter [tilespmem:s12], [sflag:$0x2], $0x80, $0x38;
	[tilespmem:$0x10880] =	vst v63  }
.Ltmp6:
0x136: {  	s12 =	sand.u32 $0x3000, s10;
	s13 =	sor.u32 $0xC800, s7;
	(pc) =	sbr.rel @p1 .LBB2_14-.Ltmp6, $4  }
0x137: {  	[spmem:s14] =	stream.linear.scatter [tilespmem:s13], [sflag:$0x2], $0x80, $0x38;
	[tilespmem:$0x10880] =	vst v63  }
0x138: {  	s6 =	sadd.s32 $0x4180, s6;
	s7 =	sor.u32 $0xCC00, s7;
	s13 =	sand.u32 $0x380, s8  }
0x139: {  	[spmem:s6] =	stream.linear.scatter [tilespmem:s7], [sflag:$0x2], $0x80, $0x38;
	[tilespmem:$0x10880] =	vst v63  }
0x13a: {  	s9 =	sadd.s32 $0x800, s9;
	s6 =	sadd.s32 s11, s20;
	s7 =	sor.u32 s13, s12  }
0x13b: {  	s8 =	sadd.s32 $0x4000, s6;
	s9 =	sor.u32 $0xC000, s7  }
0x13c: {  	[spmem:s8] =	stream.linear.scatter [tilespmem:s9], [sflag:$0x2], $0x80, $0x38;
	[tilespmem:$0x10880] =	vst v63  }
0x13d: {  	s13 =	sor.u32 $0xC400, s7;
	s14 =	sadd.s32 $0x4080, s6  }
0x13e: {  	[spmem:s14] =	stream.linear.scatter [tilespmem:s13], [sflag:$0x2], $0x80, $0x38;
	[tilespmem:$0x10880] =	vst v63  }
0x13f: {  	s10 =	sadd.s32 $0x4100, s6;
	s9 =	sor.u32 $0xC800, s7  }
0x140: {  	[spmem:s10] =	stream.linear.scatter [tilespmem:s9], [sflag:$0x2], $0x80, $0x38;
	[tilespmem:$0x10880] =	vst v63  }
0x141: {  	s11 =	sor.u32 $0xCC00, s7;
	s12 =	sadd.s32 $0x4180, s6  }
0x142: {  	[spmem:s12] =	stream.linear.scatter [tilespmem:s11], [sflag:$0x2], $0x80, $0x38;
	[tilespmem:$0x10880] =	vst v63  }
0x143: {  	_ =	swait.ge [sflag:s26], $0x4000  }
0x144: {  	[sflag:s26] =	ssyncset.done $0x0  }
0x145: {  	[sflag:s26] =	ssyncadd.s32 $0xFFFFC000  }
0x146: {  	_ =	swait.ge [sflag:s26], $0x4000  }
0x147: {  	[sflag:s26] =	ssyncset.done $0x0  }
0x148: {  	s6 =	simm.s32 $0x0;
	[sflag:s26] =	ssyncadd.s32 $0xFFFFC000  }
0x149: {  	[tilespmem:s21], [sflag:$0x1] =	stream.linear.gather [hbm4b:s16+s6], $0x4000, $0x38;
	[tilespmem:$0x10880] =	vst v63  }
0x14a: {  	_ = 	snop  }
0x14b: {  	[tilespmem:s22], [sflag:$0x1] =	stream.linear.gather [hbm4b:s17+s6], $0x4000, $0x38;
	[tilespmem:$0x10880] =	vst v63  }
0x14c: {  	[bflag:$0x0] =	sbarrier.arrive $0xFFFF  }
0x14d: {  	[tilespmem:s30], [sflag:$0x3] =	stream.indirect.gather [spmem:s1], $0x1, s29, s28, $0xb8;
	[tilespmem:$0x10880] =	vst v63  }
0x14e: {  	_ = 	snop  }
0x14f: {  	[tilespmem:s0], [sflag:$0x3] =	stream.indirect.gather [spmem:s1], $0x1, s31, s28, $0xb8;
	[tilespmem:$0x10880] =	vst v63  }
0x150: {  	_ =	swait.ge [sflag:s24], $0x80  }
0x151: {  	[sflag:s24] =	ssyncset.done $0x0  }
0x152: {  	[sflag:s24] =	ssyncadd.s32 $0xFFFFFF80  }
0x153: {  	_ =	swait.ge [sflag:s24], $0x80  }
0x154: {  	[sflag:s24] =	ssyncset.done $0x0  }
0x155: {  	[sflag:s24] =	ssyncadd.s32 $0xFFFFFF80  }
0x156: {  	v31 =	vld [tilespmem:$0x10280]  }
0x157: {  	v32 =	vld [tilespmem:$0x10580]  }
0x158: {  	v13 =	vld [tilespmem:$0x10780]  }
0x159: {  	v33 =	vld [tilespmem:$0x10290]  }
0x15a: {  	v34 =	vld [tilespmem:$0x10590]  }
0x15b: {  	v12 =	vld [tilespmem:$0x10790]  }
0x15c: {  	v35 =	vld [tilespmem:$0x102A0]  }
0x15d: {  	v14 =	vsub.f32 v14, v16;
	v36 =	vld [tilespmem:$0x105A0]  }
0x15e: {  	v11 =	vld [tilespmem:$0x107A0]  }
0x15f: {  	v15 =	vsub.f32 v15, v23;
	v14 =	vand.u32 $0x7FFFFFFF, v14;
	v37 =	vld [tilespmem:$0x102B0]  }
0x160: {  	v14 =	vmul.f32 v14, v7;
	v16 =	vld [tilespmem:$0x105B0]  }
0x161: {  	v17 =	vsub.f32 v17, v24;
	v15 =	vand.u32 $0x7FFFFFFF, v15;
	v10 =	vld [tilespmem:$0x107B0]  }
0x162: {  	v5 =	vmul.f32 v15, v5;
	v14 =	vadd.f32 v14, v30;
	v23 =	vld [tilespmem:$0x102C0]  }
0x163: {  	v15 =	vand.u32 $0x7FFFFFFF, v17;
	v17 =	vsub.f32 v18, v25;
	v38 =	vld [tilespmem:$0x105C0]  }
0x164: {  	v5 =	vadd.f32 v5, v14;
	v14 =	vmul.f32 v15, v3;
	v7 =	vld [tilespmem:$0x107C0]  }
0x165: {  	v15 =	vand.u32 $0x7FFFFFFF, v17;
	v17 =	vsub.f32 v19, v26;
	v24 =	vld [tilespmem:$0x102D0]  }
0x166: {  	v5 =	vadd.f32 v14, v5;
	v14 =	vmul.f32 v15, v2;
	v18 =	vld [tilespmem:$0x105D0]  }
0x167: {  	v15 =	vand.u32 $0x7FFFFFFF, v17;
	v17 =	vsub.f32 v20, v27;
	v3 =	vld [tilespmem:$0x107D0]  }
0x168: {  	v4 =	vmul.f32 v15, v4;
	v5 =	vadd.f32 v14, v5;
	v25 =	vld [tilespmem:$0x102E0]  }
0x169: {  	v15 =	vsub.f32 v21, v28;
	v14 =	vand.u32 $0x7FFFFFFF, v17;
	v26 =	vld [tilespmem:$0x105E0]  }
0x16a: {  	v6 =	vmul.f32 v14, v6;
	v17 =	vadd.f32 v4, v5;
	v2 =	vld [tilespmem:$0x107E0]  }
0x16b: {  	v14 =	vand.u32 $0x7FFFFFFF, v15;
	v15 =	vsub.f32 v22, v29;
	v27 =	vld [tilespmem:$0x102F0]  }
0x16c: {  	v14 =	vmul.f32 v14, v8;
	v17 =	vadd.f32 v6, v17;
	v55 =	vld [tilespmem:$0x105F0]  }
0x16d: {  	v15 =	vand.u32 $0x7FFFFFFF, v15;
	v4 =	vld [tilespmem:$0x107F0];
	v20 =	vsub.f32 v31, v32  }
0x16e: {  	v15 =	vmul.f32 v15, v9;
	v14 =	vadd.f32 v14, v17;
	v5 =	vld [tilespmem:$0x10300]  }
0x16f: {  	v8 =	vld [tilespmem:$0x10600];
	v21 =	vsub.f32 v33, v34;
	v17 =	vand.u32 $0x7FFFFFFF, v20  }
0x170: {  	v15 =	vadd.f32 v15, v14;
	v6 =	vld [tilespmem:$0x10310];
	v17 =	vmul.f32 v17, v13  }
0x171: {  	v19 =	vld [tilespmem:$0x10610];
	v22 =	vsub.f32 v35, v36;
	v21 =	vand.u32 $0x7FFFFFFF, v21  }
0x172: {  	v9 =	vld [tilespmem:$0x10320];
	v56 =	vmul.f32 v21, v12;
	v17 =	vadd.f32 v17, v15  }
0x173: {  	v14 =	vld [tilespmem:$0x10330];
	v16 =	vsub.f32 v37, v16;
	v22 =	vand.u32 $0x7FFFFFFF, v22  }
0x174: {  	v59 =	vsub.f32 v23, v38;
	v23 =	vld [tilespmem:$0x10650];
	v57 =	vmul.f32 v22, v11;
	v17 =	vadd.f32 v56, v17  }
0x175: {  	v18 =	vsub.f32 v24, v18;
	v24 =	vld [tilespmem:$0x10660];
	v58 =	vand.u32 $0x7FFFFFFF, v16  }
0x176: {  	v26 =	vsub.f32 v25, v26;
	v25 =	vld [tilespmem:$0x10670];
	v30 =	vmul.f32 v58, v10;
	v29 =	vadd.f32 v57, v17  }
0x177: {  	v20 =	vld [tilespmem:$0x10620];
	v31 =	vand.u32 $0x7FFFFFFF, v59  }
0x178: {  	v16 =	vld [tilespmem:$0x10350];
	v60 =	vmul.f32 v31, v7;
	v29 =	vadd.f32 v30, v29  }
0x179: {  	v61 =	vand.u32 $0x7FFFFFFF, v18;
	v18 =	vld [tilespmem:$0x10370]  }
0x17a: {  	v21 =	vld [tilespmem:$0x10630];
	v62 =	vmul.f32 v61, v3;
	v29 =	vadd.f32 v60, v29  }
0x17b: {  	v27 =	vsub.f32 v27, v55;
	v26 =	vand.u32 $0x7FFFFFFF, v26;
	v22 =	vld [tilespmem:$0x10640]  }
0x17c: {  	v26 =	vmul.f32 v26, v2;
	v15 =	vld [tilespmem:$0x10340];
	v63 =	vadd.f32 v62, v29  }
0x17d: {  	v27 =	vand.u32 $0x7FFFFFFF, v27;
	v17 =	vld [tilespmem:$0x10360];
	[bflag:$0x0] =	sbarrier.arrive $0xFFFF  }
0x17e: {  	s13 =	sand.u32 $0x3000, s6;
	s14 =	sand.u32 $0x380, s6;
	v27 =	vmul.f32 v27, v4;
	_ =	swait.ge [sflag:s25], $0x4000;
	v26 =	vadd.f32 v26, v63  }
0x17f: {  	s8 =	simm.s32 $0x800;
	s7 =	sor.u32 s14, s13;
	[sflag:s25] =	ssyncset.done $0x0  }
0x180: {  	s10 =	simm.s32 $0x0;
	s9 =	simm.s32 $0x0;
	[sflag:s25] =	ssyncadd.s32 $0xFFFFC000;
	v26 =	vadd.f32 v27, v26  }
.LBB2_16:
0x181: {  	p1 =	sne.s32 s8, $0xF800;
	s10 =	sadd.s32 s10, s20;
	s11 =	sor.u32 $0x8000, s7  }
0x182: {  	[spmem:s10] =	stream.linear.scatter [tilespmem:s11], [sflag:$0x2], $0x80, $0x38;
	[tilespmem:$0x10880] =	vst v63  }
0x183: {  	s6 =	sadd.s32 $0x80, s6;
	s9 =	sadd.s32 $0x200, s9  }
0x184: {  	s11 =	sor.u32 $0x8400, s7;
	s12 =	sadd.s32 $0x80, s10;
	s13 =	sadd.s32 $0x100, s10  }
0x185: {  	[spmem:s12] =	stream.linear.scatter [tilespmem:s11], [sflag:$0x2], $0x80, $0x38;
	[tilespmem:$0x10880] =	vst v63  }
.Ltmp7:
0x186: {  	s11 =	sand.u32 $0x3000, s9;
	s12 =	sor.u32 $0x8800, s7;
	(pc) =	sbr.rel @p1 .LBB2_16-.Ltmp7, $4  }
0x187: {  	[spmem:s13] =	stream.linear.scatter [tilespmem:s12], [sflag:$0x2], $0x80, $0x38;
	[tilespmem:$0x10880] =	vst v63  }
0x188: {  	s10 =	sadd.s32 $0x180, s10;
	s7 =	sor.u32 $0x8C00, s7;
	s12 =	sand.u32 $0x380, s6  }
0x189: {  	[spmem:s10] =	stream.linear.scatter [tilespmem:s7], [sflag:$0x2], $0x80, $0x38;
	[tilespmem:$0x10880] =	vst v63  }
0x18a: {  	s10 =	sshra.s32 s8, $0x2;
	s7 =	sor.u32 s12, s11;
	s8 =	sadd.s32 $0x800, s8  }
0x18b: {  	s6 =	sadd.s32 s10, s20;
	s8 =	sor.u32 $0x8000, s7  }
0x18c: {  	[spmem:s6] =	stream.linear.scatter [tilespmem:s8], [sflag:$0x2], $0x80, $0x38;
	[tilespmem:$0x10880] =	vst v63  }
0x18d: {  	s14 =	sor.u32 $0x8400, s7;
	s9 =	sadd.s32 $0x80, s6  }
0x18e: {  	[spmem:s9] =	stream.linear.scatter [tilespmem:s14], [sflag:$0x2], $0x80, $0x38;
	[tilespmem:$0x10880] =	vst v63  }
0x18f: {  	s10 =	sor.u32 $0x8800, s7;
	s11 =	sadd.s32 $0x100, s6  }
0x190: {  	[spmem:s11] =	stream.linear.scatter [tilespmem:s10], [sflag:$0x2], $0x80, $0x38;
	[tilespmem:$0x10880] =	vst v63  }
0x191: {  	s12 =	sor.u32 $0x8C00, s7;
	s6 =	sadd.s32 $0x180, s6;
	s8 =	simm.s32 $0x0  }
0x192: {  	[spmem:s6] =	stream.linear.scatter [tilespmem:s12], [sflag:$0x2], $0x80, $0x38;
	[tilespmem:$0x10880] =	vst v63  }
0x193: {  	s13 =	sand.u32 $0x3000, s8;
	s14 =	sand.u32 $0x380, s8;
	_ =	swait.ge [sflag:s25], $0x4000  }
0x194: {  	s9 =	simm.s32 $0x800;
	s7 =	sor.u32 s14, s13;
	[sflag:s25] =	ssyncset.done $0x0  }
0x195: {  	s10 =	simm.s32 $0x0;
	s6 =	sadd.s32 $0x0, s20;
	[sflag:s25] =	ssyncadd.s32 $0xFFFFC000  }
.LBB2_18:
0x196: {  	p1 =	sne.s32 s9, $0xF800;
	s11 =	sadd.s32 $0x4000, s6;
	s12 =	sor.u32 $0xC000, s7  }
0x197: {  	[spmem:s11] =	stream.linear.scatter [tilespmem:s12], [sflag:$0x2], $0x80, $0x38;
	[tilespmem:$0x10880] =	vst v63  }
0x198: {  	s8 =	sadd.s32 $0x80, s8;
	s10 =	sadd.s32 $0x200, s10;
	s13 =	sadd.s32 $0x4080, s6  }
0x199: {  	s14 =	sadd.s32 $0x4100, s6;
	s11 =	sshra.s32 s9, $0x2;
	s12 =	sor.u32 $0xC400, s7  }
0x19a: {  	[spmem:s13] =	stream.linear.scatter [tilespmem:s12], [sflag:$0x2], $0x80, $0x38;
	[tilespmem:$0x10880] =	vst v63  }
.Ltmp8:
0x19b: {  	s12 =	sand.u32 $0x3000, s10;
	s13 =	sor.u32 $0xC800, s7;
	(pc) =	sbr.rel @p1 .LBB2_18-.Ltmp8, $4  }
0x19c: {  	[spmem:s14] =	stream.linear.scatter [tilespmem:s13], [sflag:$0x2], $0x80, $0x38;
	[tilespmem:$0x10880] =	vst v63  }
0x19d: {  	s6 =	sadd.s32 $0x4180, s6;
	s7 =	sor.u32 $0xCC00, s7;
	s13 =	sand.u32 $0x380, s8  }
0x19e: {  	[spmem:s6] =	stream.linear.scatter [tilespmem:s7], [sflag:$0x2], $0x80, $0x38;
	[tilespmem:$0x10880] =	vst v63  }
0x19f: {  	s9 =	sadd.s32 $0x800, s9;
	s6 =	sadd.s32 s11, s20;
	s7 =	sor.u32 s13, s12  }
0x1a0: {  	s8 =	sadd.s32 $0x4000, s6;
	s9 =	sor.u32 $0xC000, s7  }
0x1a1: {  	[spmem:s8] =	stream.linear.scatter [tilespmem:s9], [sflag:$0x2], $0x80, $0x38;
	[tilespmem:$0x10880] =	vst v63  }
0x1a2: {  	s13 =	sor.u32 $0xC400, s7;
	s14 =	sadd.s32 $0x4080, s6  }
0x1a3: {  	[spmem:s14] =	stream.linear.scatter [tilespmem:s13], [sflag:$0x2], $0x80, $0x38;
	[tilespmem:$0x10880] =	vst v63  }
0x1a4: {  	s10 =	sor.u32 $0xC800, s7;
	s11 =	sadd.s32 $0x4100, s6  }
0x1a5: {  	[spmem:s11] =	stream.linear.scatter [tilespmem:s10], [sflag:$0x2], $0x80, $0x38;
	[tilespmem:$0x10880] =	vst v63  }
0x1a6: {  	s12 =	sor.u32 $0xCC00, s7;
	s13 =	sadd.s32 $0x4180, s6  }
0x1a7: {  	[spmem:s13] =	stream.linear.scatter [tilespmem:s12], [sflag:$0x2], $0x80, $0x38;
	[tilespmem:$0x10880] =	vst v63  }
0x1a8: {  	_ =	swait.ge [sflag:s26], $0x4000  }
0x1a9: {  	[sflag:s26] =	ssyncset.done $0x0  }
0x1aa: {  	[sflag:s26] =	ssyncadd.s32 $0xFFFFC000  }
0x1ab: {  	_ =	swait.ge [sflag:s26], $0x4000  }
0x1ac: {  	[sflag:s26] =	ssyncset.done $0x0  }
0x1ad: {  	[sflag:s26] =	ssyncadd.s32 $0xFFFFC000  }
0x1ae: {  	[bflag:$0x0] =	sbarrier.arrive $0xFFFF  }
0x1af: {  	[tilespmem:s30], [sflag:$0x3] =	stream.indirect.gather [spmem:s1], $0x1, s29, s28, $0xb8;
	[tilespmem:$0x10880] =	vst v63  }
0x1b0: {  	_ = 	snop  }
0x1b1: {  	[tilespmem:s0], [sflag:$0x3] =	stream.indirect.gather [spmem:s1], $0x1, s31, s28, $0xb8;
	[tilespmem:$0x10880] =	vst v63  }
0x1b2: {  	_ =	swait.ge [sflag:s24], $0x80  }
0x1b3: {  	[sflag:s24] =	ssyncset.done $0x0  }
0x1b4: {  	[sflag:s24] =	ssyncadd.s32 $0xFFFFFF80  }
0x1b5: {  	_ =	swait.ge [sflag:s24], $0x80  }
0x1b6: {  	v5 =	vsub.f32 v5, v8;
	[sflag:s24] =	ssyncset.done $0x0  }
0x1b7: {  	[sflag:s24] =	ssyncadd.s32 $0xFFFFFF80  }
0x1b8: {  	v6 =	vsub.f32 v6, v19;
	v5 =	vand.u32 $0x7FFFFFFF, v5;
	v49 =	vld [tilespmem:$0x10280]  }
0x1b9: {  	v5 =	vmul.f32 v5, v13;
	v50 =	vld [tilespmem:$0x10680]  }
0x1ba: {  	v9 =	vsub.f32 v9, v20;
	v6 =	vand.u32 $0x7FFFFFFF, v6;
	v19 =	vld [tilespmem:$0x10780]  }
0x1bb: {  	v6 =	vmul.f32 v6, v12;
	v5 =	vadd.f32 v5, v26;
	v51 =	vld [tilespmem:$0x10290]  }
0x1bc: {  	v14 =	vsub.f32 v14, v21;
	v9 =	vand.u32 $0x7FFFFFFF, v9;
	v52 =	vld [tilespmem:$0x10690]  }
0x1bd: {  	v53 =	vmul.f32 v9, v11;
	v5 =	vadd.f32 v6, v5;
	v54 =	vld [tilespmem:$0x10790]  }
0x1be: {  	v56 =	vsub.f32 v15, v22;
	v55 =	vand.u32 $0x7FFFFFFF, v14;
	v57 =	vld [tilespmem:$0x102A0]  }
0x1bf: {  	v58 =	vmul.f32 v55, v10;
	v5 =	vadd.f32 v53, v5;
	v59 =	vld [tilespmem:$0x106A0]  }
0x1c0: {  	v61 =	vsub.f32 v16, v23;
	v60 =	vand.u32 $0x7FFFFFFF, v56;
	v62 =	vld [tilespmem:$0x107A0]  }
0x1c1: {  	v63 =	vmul.f32 v60, v7;
	v5 =	vadd.f32 v58, v5;
	v21 =	vld [tilespmem:$0x102B0]  }
0x1c2: {  	v23 =	vsub.f32 v17, v24;
	v22 =	vand.u32 $0x7FFFFFFF, v61;
	v24 =	vld [tilespmem:$0x106B0]  }
0x1c3: {  	v3 =	vmul.f32 v22, v3;
	v5 =	vadd.f32 v63, v5;
	v26 =	vld [tilespmem:$0x107B0]  }
0x1c4: {  	v28 =	vsub.f32 v18, v25;
	v27 =	vand.u32 $0x7FFFFFFF, v23;
	v29 =	vld [tilespmem:$0x102C0]  }
0x1c5: {  	v2 =	vmul.f32 v27, v2;
	v3 =	vadd.f32 v3, v5;
	v30 =	vld [tilespmem:$0x106C0]  }
0x1c6: {  	v31 =	vand.u32 $0x7FFFFFFF, v28;
	v32 =	vld [tilespmem:$0x107C0];
	v8 =	vsub.f32 v49, v50  }
0x1c7: {  	v2 =	vadd.f32 v2, v3;
	v3 =	vmul.f32 v31, v4;
	v33 =	vld [tilespmem:$0x102D0]  }
0x1c8: {  	v35 =	vld [tilespmem:$0x106D0];
	v34 =	vsub.f32 v51, v52;
	v8 =	vand.u32 $0x7FFFFFFF, v8  }
0x1c9: {  	v2 =	vadd.f32 v3, v2;
	v36 =	vld [tilespmem:$0x107D0];
	v3 =	vmul.f32 v8, v19  }
0x1ca: {  	v37 =	vld [tilespmem:$0x102E0];
	v10 =	vsub.f32 v57, v59;
	v11 =	vand.u32 $0x7FFFFFFF, v34  }
0x1cb: {  	v38 =	vld [tilespmem:$0x106E0];
	v2 =	vadd.f32 v3, v2;
	v3 =	vmul.f32 v11, v54  }
0x1cc: {  	v39 =	vld [tilespmem:$0x107E0];
	v7 =	vsub.f32 v21, v24;
	v10 =	vand.u32 $0x7FFFFFFF, v10  }
0x1cd: {  	v40 =	vld [tilespmem:$0x102F0];
	v2 =	vadd.f32 v3, v2;
	v3 =	vmul.f32 v10, v62  }
0x1ce: {  	v41 =	vld [tilespmem:$0x106F0];
	v5 =	vsub.f32 v29, v30;
	v7 =	vand.u32 $0x7FFFFFFF, v7  }
0x1cf: {  	v42 =	vld [tilespmem:$0x107F0];
	v2 =	vadd.f32 v3, v2;
	v3 =	vmul.f32 v7, v26  }
0x1d0: {  	v43 =	vld [tilespmem:$0x10300];
	v4 =	vsub.f32 v33, v35;
	v5 =	vand.u32 $0x7FFFFFFF, v5  }
0x1d1: {  	v44 =	vld [tilespmem:$0x10700];
	v2 =	vadd.f32 v3, v2;
	v3 =	vmul.f32 v5, v32  }
0x1d2: {  	v45 =	vld [tilespmem:$0x10310];
	v4 =	vand.u32 $0x7FFFFFFF, v4;
	v11 =	vsub.f32 v37, v38  }
0x1d3: {  	v46 =	vld [tilespmem:$0x10710];
	v2 =	vadd.f32 v3, v2;
	v3 =	vmul.f32 v4, v36  }
0x1d4: {  	v47 =	vld [tilespmem:$0x10320];
	v11 =	vand.u32 $0x7FFFFFFF, v11;
	v10 =	vsub.f32 v40, v41  }
0x1d5: {  	v48 =	vld [tilespmem:$0x10720];
	v2 =	vadd.f32 v3, v2;
	v3 =	vmul.f32 v11, v39  }
0x1d6: {  	v49 =	vld [tilespmem:$0x10330];
	v10 =	vand.u32 $0x7FFFFFFF, v10;
	v5 =	vsub.f32 v43, v44  }
0x1d7: {  	v50 =	vld [tilespmem:$0x10730];
	v2 =	vadd.f32 v3, v2;
	v3 =	vmul.f32 v10, v42  }
0x1d8: {  	v51 =	vld [tilespmem:$0x10340];
	v5 =	vand.u32 $0x7FFFFFFF, v5;
	v4 =	vsub.f32 v45, v46  }
0x1d9: {  	v52 =	vld [tilespmem:$0x10740];
	v2 =	vadd.f32 v3, v2;
	v3 =	vmul.f32 v5, v19  }
0x1da: {  	v53 =	vld [tilespmem:$0x10350];
	v4 =	vand.u32 $0x7FFFFFFF, v4;
	v11 =	vsub.f32 v47, v48  }
0x1db: {  	v2 =	vadd.f32 v3, v2;
	v3 =	vmul.f32 v4, v54;
	v54 =	vld [tilespmem:$0x10750]  }
0x1dc: {  	v56 =	vld [tilespmem:$0x10360];
	v55 =	vand.u32 $0x7FFFFFFF, v11;
	v10 =	vsub.f32 v49, v50  }
0x1dd: {  	v57 =	vld [tilespmem:$0x10760];
	v2 =	vadd.f32 v3, v2;
	v3 =	vmul.f32 v55, v62  }
0x1de: {  	v58 =	vld [tilespmem:$0x10370];
	v10 =	vand.u32 $0x7FFFFFFF, v10;
	v5 =	vsub.f32 v51, v52  }
0x1df: {  	v59 =	vld [tilespmem:$0x10770];
	v2 =	vadd.f32 v3, v2;
	v3 =	vmul.f32 v10, v26  }
0x1e0: {  	v5 =	vand.u32 $0x7FFFFFFF, v5;
	v4 =	vsub.f32 v53, v54  }
0x1e1: {  	v2 =	vadd.f32 v3, v2;
	v3 =	vmul.f32 v5, v32  }
0x1e2: {  	v60 =	vsub.f32 v56, v57;
	v4 =	vand.u32 $0x7FFFFFFF, v4  }
0x1e3: {  	v2 =	vadd.f32 v3, v2;
	v3 =	vmul.f32 v4, v36  }
0x1e4: {  	v61 =	vand.u32 $0x7FFFFFFF, v60;
	v62 =	vsub.f32 v58, v59  }
0x1e5: {  	v2 =	vadd.f32 v3, v2;
	v3 =	vmul.f32 v61, v39  }
0x1e6: {  	v63 =	vand.u32 $0x7FFFFFFF, v62  }
0x1e7: {  	v2 =	vadd.f32 v3, v2;
	v3 =	vmul.f32 v63, v42;
	_ =	sdelay $0x1  }
0x1e8: {  	s3 =	sadd.s32 $0x1, s3;
	v2 =	vadd.f32 v3, v2  }
0x1e9: {  	p1 =	sne.s32 s3, s19;
	[bflag:$0x0] =	sbarrier.arrive $0xFFFF  }
.Ltmp9:
0x1ea: {  	s14 =	simm.s32 $0x10800;
	[tilespmem:$0x10800] =	vst v2;
	(pc) =	sbr.rel @p1 .LBB2_1-.Ltmp9, $4  }
0x1eb: {  	[hbm4b:s18+s2] =	stream.linear.scatter [tilespmem:s14], [sflag:$0x4], $0x80, $0x38;
	[tilespmem:$0x10880] =	vst v63  }
0x1ec: {  	_ =	swait.ge [sflag:s23], $0x80  }
0x1ed: {  	[sflag:s23] =	ssyncset.done $0x0  }
0x1ee: {  	[sflag:s23] =	ssyncadd.s32 $0xFFFFFF80  }
0x1ef: {  	_ =	sfence.sel $0x180000  }
0x1f0: {  	[bflag:$0x0] =	sbarrier.arrive $0xFFFF  }
0x1f1: {  	_ =	strace $0x90000047  }
0x1f2: {  	s0 =	stileid.u32;
	[bflag:$0x2] =	sbarrier.arrive $0xFFFF  }
0x1f3: {  	p0 =	sne.s32 s0, $0x0;
	s0 =	rddreg [dreg:$0x5]  }
0x1f4: {  	s0 =	sadd.s32 @!p0 $0x100000, s0  }
0x1f5: {  	[sflag:s0] =	ssyncadd.tile.s32 @!p0 $0x1;
	_ =	shalt  }
.Lfunc_end2:
_tile_overlayer_lowered:
.L_overlay_start_2:
0x1f6: {  	(tag) =	ssettag $0x2  }
0x1f7: {  	s0 =	rddreg [dreg:$0x0];
	s2 =	stileid.u32  }
0x1f8: {  	s1 =	rddreg [dreg:$0x1];
	p0 =	sne.s32 s2, $0x0  }
0x1f9: {  	s3 =	rddreg [dreg:$0x2];
	[bflag:$0x3] =	sbarrier.arrive $0xFFFF;
	s2 =	simm.s32 @!p0 $0x1C04  }
0x1fa: {  	[timem:s3], [sflag:s2] =	dma.local @!p0 [hbm:s0], s1  }
0x1fb: {  	s0 =	simm.s32 @!p0 $0x4  }
0x1fc: {  	_ =	swait.ge @!p0 [sflag:s0], s1  }
0x1fd: {  	s1 =	ssub.s32 @!p0 $0x0, s1;
	[sflag:s0] =	ssyncset.done @!p0 $0x0  }
0x1fe: {  	[sflag:s0] =	ssyncadd.s32 @!p0 s1  }
0x1ff: {  	[bflag:$0x3] =	sbarrier.arrive $0xFFFF  }
0x200: {  	_ =	shalt  }

</sc_bundles>
